<compile_context>
chip_gen: v7x
topology: tpu7x:2x2x1
jax: 0.10.2.dev20260603
libtpu: 0.0.44.dev20260713+nightly
codegen_flags: <defaults>
</compile_context>

<pallas_src>
import functools

import jax
import jax.numpy as jnp
from jax import lax
from jax.experimental import pallas as pl
from jax.experimental.pallas import tpu as pltpu
from jax.experimental.pallas import tpu_sc as plsc

_NB = 256


def _argmin_kernel(pred_ref, realt_ref, out_ref):
    m = realt_ref.shape[2]
    p = pred_ref[0]
    rt = realt_ref[0]
    q2 = jnp.sum(p * p, axis=1, keepdims=True)
    k2 = jnp.sum(rt * rt, axis=0, keepdims=True)
    nqk2 = jax.lax.dot_general(
        -2.0 * p, rt, (((1,), (0,)), ((), ())),
        preferred_element_type=jnp.float32,
    )
    sq = (q2 + nqk2) + k2
    minv = jnp.min(sq, axis=1, keepdims=True)
    t = jnp.maximum(minv, 0.0)
    fiota = lax.broadcasted_iota(jnp.int32, (1, m), 1).astype(jnp.float32)
    fidx = jnp.min(jnp.where(sq <= t, fiota, float(m)), axis=1)
    out_ref[0, 0, :] = fidx.astype(jnp.int32) + pl.program_id(0) * m


def _nearest_indices(predicted_positions, real_positions):
    B, N, d = predicted_positions.shape
    M = real_positions.shape[1]
    realt = jnp.transpose(real_positions, (0, 2, 1))
    idx3 = pl.pallas_call(
        _argmin_kernel,
        grid=(B, N // _NB),
        in_specs=[
            pl.BlockSpec((1, _NB, d), lambda b, n: (b, n, 0)),
            pl.BlockSpec((1, d, M), lambda b, n: (b, 0, 0)),
        ],
        out_specs=pl.BlockSpec((1, 1, _NB), lambda b, n: (b, 0, n)),
        out_shape=jax.ShapeDtypeStruct((B, 1, N), jnp.int32),
        compiler_params=pltpu.CompilerParams(
            dimension_semantics=("arbitrary", "arbitrary"),
        ),
    )(predicted_positions, realt)
    return idx3.reshape(B * N)


def _make_sc_gather(R, V, G, n_chunks, chunk):
    mesh = plsc.VectorSubcoreMesh(core_axis_name="c", subcore_axis_name="s")
    info = plsc.get_sparse_core_info()
    nc = info.num_cores
    rows_per_w = R // (nc * info.num_subcores)

    @functools.partial(
        pl.kernel,
        mesh=mesh,
        out_type=jax.ShapeDtypeStruct((R, G), jnp.float32),
        scratch_types=[
            pltpu.VMEM((rows_per_w,), jnp.int32),
            pltpu.VMEM((chunk, G), jnp.float32),
            pltpu.VMEM((chunk, G), jnp.float32),
            pltpu.SemaphoreType.DMA,
            pltpu.SemaphoreType.DMA,
            pltpu.SemaphoreType.DMA,
            pltpu.SemaphoreType.DMA,
        ],
    )
    def gather(table_hbm, idx_hbm, out_hbm, idx_v, buf0, buf1, g0, g1, s0, s1):
        wid = lax.axis_index("s") * nc + lax.axis_index("c")
        base = wid * rows_per_w
        pltpu.sync_copy(idx_hbm.at[pl.ds(base, rows_per_w)], idx_v)
        bufs = (buf0, buf1)
        gsems = (g0, g1)
        osems = (s0, s1)
        copies = [None] * n_chunks
        outs = [None] * n_chunks

        def start(c):
            copies[c] = pltpu.make_async_copy(
                table_hbm.at[idx_v.at[pl.ds(c * chunk, chunk)]],
                bufs[c % 2],
                gsems[c % 2],
            )
            copies[c].start()

        start(0)
        for c in range(n_chunks):
            copies[c].wait()
            if c + 1 < n_chunks:
                if c >= 1:
                    outs[c - 1].wait()
                start(c + 1)
            outs[c] = pltpu.make_async_copy(
                bufs[c % 2],
                out_hbm.at[pl.ds(base + c * chunk, chunk)],
                osems[c % 2],
            )
            outs[c].start()
        outs[n_chunks - 2].wait()
        outs[n_chunks - 1].wait()

    return gather


def kernel(predicted_positions, real_positions, real_expressions):
    B, N, d = predicted_positions.shape
    M = real_positions.shape[1]
    G = real_expressions.shape[2]
    flat_idx = _nearest_indices(predicted_positions, real_positions)
    table = real_expressions.reshape(B * M, G)
    gather = _make_sc_gather(B * N, B * M, G, n_chunks=8, chunk=64)
    out = gather(table, flat_idx)
    return out.reshape(B, N, G)

# --- scband reference (transcript-rebuilt; emitter-appended) ---
"""Pipeline reference for scband-gaussian-vae-41747082117131 (READ-ONLY COPY).

The authoritative reference and input builder live on the scoring server;
editing this copy changes nothing except your own understanding.
"""

import jax, jax.numpy as jnp
import numpy as np


def setup_inputs(seed: int = 0) -> dict:
    key = jax.random.key(seed)
    k1, k2, k3 = jax.random.split(key, 3)
    B, N, d, G = 8, 2048, 3, 512
    predicted_positions = jax.random.uniform(k1, (B, N, d), dtype=jnp.float32)
    real_positions = jax.random.uniform(k2, (B, N, d), dtype=jnp.float32)
    real_expressions = jax.random.normal(k3, (B, N, G), dtype=jnp.float32)
    return {
        "predicted_positions": predicted_positions,
        "real_positions": real_positions,
        "real_expressions": real_expressions,
    }


def reference(predicted_positions, real_positions, real_expressions):
    # Faithful port of GaussianVAE.get_nearest_expressions
    # distances = torch.cdist(predicted_positions, real_positions)  (B, N, M)
    q2 = jnp.sum(predicted_positions * predicted_positions, axis=-1, keepdims=True)  # (B, N, 1)
    k2 = jnp.sum(real_positions * real_positions, axis=-1)[:, None, :]  # (B, 1, M)
    qk = jnp.einsum("bnd,bmd->bnm", predicted_positions, real_positions)  # (B, N, M)
    sq = jnp.maximum(q2 - 2.0 * qk + k2, 0.0)
    distances = jnp.sqrt(sq)
    # nearest_indices = distances.argmin(dim=-1)
    nearest_indices = jnp.argmin(distances, axis=-1)  # (B, N) int
    # torch.gather(real_expressions, dim=1, index=idx.unsqueeze(-1).expand(-1,-1,G))
    nearest_expressions = jnp.take_along_axis(
        real_expressions, nearest_indices[..., None], axis=1
    )  # (B, N, G)
    return nearest_expressions

if __name__ == "__main__":
    import jax
    _d = setup_inputs()
    print(jax.jit(kernel)(*tuple(_d.values())))

</pallas_src>

<mosaic_0001>
#map = affine_map<(d0, d1) -> (0, 0)>
#map1 = affine_map<(d0, d1) -> (0)>
module attributes {stable_mosaic.version = 14 : i64} {
  func.func @gather(%arg0: i32, %arg1: i32, %arg2: memref<16384x512xf32, #tpu.memory_space<hbm>>, %arg3: memref<16384xi32, #tpu.memory_space<hbm>>, %arg4: memref<16384x512xf32, #tpu.memory_space<hbm>>, %arg5: memref<512xi32, #tpu.memory_space<vmem>>, %arg6: memref<64x512xf32, #tpu.memory_space<vmem>>, %arg7: memref<64x512xf32, #tpu.memory_space<vmem>>, %arg8: memref<!tpu.dma_semaphore, #tpu.memory_space<semaphore_mem>>, %arg9: memref<!tpu.dma_semaphore, #tpu.memory_space<semaphore_mem>>, %arg10: memref<!tpu.dma_semaphore, #tpu.memory_space<semaphore_mem>>, %arg11: memref<!tpu.dma_semaphore, #tpu.memory_space<semaphore_mem>>) attributes {dimension_semantics = [#tpu.dimension_semantics<core_parallel>, #tpu.dimension_semantics<subcore_parallel>], iteration_bounds = array<i64: 2, 16>, scalar_prefetch = 0 : i64, scratch_operands = 7 : i64, tpu.core_type = #tpu.core_type<sc_vector_subcore>, window_params = [{transform_indices = #map}, {transform_indices = #map1}, {transform_indices = #map}]} {
    %mul3A = arith.constant 2 : i32
    %mul3A_0 = arith.muli %arg1, %mul3A : i32
    %add3A = arith.addi %mul3A_0, %arg0 : i32
    %mul3A_1 = arith.constant 512 : i32
    %mul3A_2 = arith.muli %add3A, %mul3A_1 : i32
    "tpu.region"() ({
      %run_scoped3A = tpu.sem_alloc : memref<!tpu.dma_semaphore, #tpu.memory_space<semaphore_mem>>
      %dma_start3A_161 = tpu.memref_slice %arg3[%mul3A_2] : memref<16384xi32, #tpu.memory_space<hbm>> -> memref<512xi32, #tpu.memory_space<hbm>>
      %dma_start3A_162 = tpu.memref_slice %arg3[%mul3A_2] : memref<16384xi32, #tpu.memory_space<hbm>> -> memref<512xi32, #tpu.memory_space<hbm>>
      tpu.enqueue_dma source(%dma_start3A_162 : memref<512xi32, #tpu.memory_space<hbm>>) target(%arg5 : memref<512xi32, #tpu.memory_space<vmem>>) target_semaphore(%run_scoped3A : memref<!tpu.dma_semaphore, #tpu.memory_space<semaphore_mem>>)
      %dma_wait3A_163 = tpu.memref_slice %arg3[%mul3A_2] : memref<16384xi32, #tpu.memory_space<hbm>> -> memref<512xi32, #tpu.memory_space<hbm>>
      %dma_wait3A_164 = tpu.memref_slice %arg3[%mul3A_2] : memref<16384xi32, #tpu.memory_space<hbm>> -> memref<512xi32, #tpu.memory_space<hbm>>
      tpu.wait_dma2 semaphore(%run_scoped3A : memref<!tpu.dma_semaphore, #tpu.memory_space<semaphore_mem>>) src(%dma_wait3A_164 : memref<512xi32, #tpu.memory_space<hbm>>) dst(%arg5 : memref<512xi32, #tpu.memory_space<vmem>>)
      tpu.yield
    }) : () -> ()
    %dma_start3A = arith.constant 0 : i32
    %dma_start3A_3 = tpu.memref_slice %arg5[%dma_start3A] : memref<512xi32, #tpu.memory_space<vmem>> -> memref<64xi32, #tpu.memory_space<vmem>>
    %dma_start3A_4 = arith.constant 0 : i32
    %dma_start3A_5 = arith.constant 0 : i32
    %dma_start3A_6 = tpu.memref_slice %arg2[%dma_start3A_4, %dma_start3A_5] : memref<16384x512xf32, #tpu.memory_space<hbm>> -> memref<16384x512xf32, #tpu.memory_space<hbm>>
    tpu.enqueue_indirect_dma source(%dma_start3A_6 : memref<16384x512xf32, #tpu.memory_space<hbm>>) target(%arg6 : memref<64x512xf32, #tpu.memory_space<vmem>>) offsets(%dma_start3A_3 : memref<64xi32, #tpu.memory_space<vmem>>) semaphore(%arg8 : memref<!tpu.dma_semaphore, #tpu.memory_space<semaphore_mem>>)
    %dma_wait3A = arith.constant 0 : i32
    %dma_wait3A_7 = tpu.memref_slice %arg5[%dma_wait3A] : memref<512xi32, #tpu.memory_space<vmem>> -> memref<64xi32, #tpu.memory_space<vmem>>
    %dma_wait3A_8 = arith.constant 0 : i32
    %dma_wait3A_9 = arith.constant 0 : i32
    %dma_wait3A_10 = tpu.memref_slice %arg2[%dma_wait3A_8, %dma_wait3A_9] : memref<16384x512xf32, #tpu.memory_space<hbm>> -> memref<16384x512xf32, #tpu.memory_space<hbm>>
    tpu.wait_indirect_dma semaphore(%arg8 : memref<!tpu.dma_semaphore, #tpu.memory_space<semaphore_mem>>) src(%dma_wait3A_10 : memref<16384x512xf32, #tpu.memory_space<hbm>>) dst(%arg6 : memref<64x512xf32, #tpu.memory_space<vmem>>)
    %dma_start3A_11 = arith.constant 64 : i32
    %dma_start3A_12 = tpu.memref_slice %arg5[%dma_start3A_11] : memref<512xi32, #tpu.memory_space<vmem>> -> memref<64xi32, #tpu.memory_space<vmem>>
    %dma_start3A_13 = arith.constant 0 : i32
    %dma_start3A_14 = arith.constant 0 : i32
    %dma_start3A_15 = tpu.memref_slice %arg2[%dma_start3A_13, %dma_start3A_14] : memref<16384x512xf32, #tpu.memory_space<hbm>> -> memref<16384x512xf32, #tpu.memory_space<hbm>>
    tpu.enqueue_indirect_dma source(%dma_start3A_15 : memref<16384x512xf32, #tpu.memory_space<hbm>>) target(%arg7 : memref<64x512xf32, #tpu.memory_space<vmem>>) offsets(%dma_start3A_12 : memref<64xi32, #tpu.memory_space<vmem>>) semaphore(%arg9 : memref<!tpu.dma_semaphore, #tpu.memory_space<semaphore_mem>>)
    %add3A_16 = arith.constant 0 : i32
    %add3A_17 = arith.addi %mul3A_2, %add3A_16 : i32
    %dma_start3A_18 = arith.constant 0 : i32
    %dma_start3A_19 = tpu.memref_slice %arg4[%add3A_17, %dma_start3A_18] : memref<16384x512xf32, #tpu.memory_space<hbm>> -> memref<64x512xf32, #tpu.memory_space<hbm>>
    %dma_start3A_20 = arith.constant 0 : i32
    %dma_start3A_21 = tpu.memref_slice %arg4[%add3A_17, %dma_start3A_20] : memref<16384x512xf32, #tpu.memory_space<hbm>> -> memref<64x512xf32, #tpu.memory_space<hbm>>
    tpu.enqueue_dma source(%arg6 : memref<64x512xf32, #tpu.memory_space<vmem>>) target(%dma_start3A_21 : memref<64x512xf32, #tpu.memory_space<hbm>>) target_semaphore(%arg10 : memref<!tpu.dma_semaphore, #tpu.memory_space<semaphore_mem>>)
    %dma_wait3A_22 = arith.constant 64 : i32
    %dma_wait3A_23 = tpu.memref_slice %arg5[%dma_wait3A_22] : memref<512xi32, #tpu.memory_space<vmem>> -> memref<64xi32, #tpu.memory_space<vmem>>
    %dma_wait3A_24 = arith.constant 0 : i32
    %dma_wait3A_25 = arith.constant 0 : i32
    %dma_wait3A_26 = tpu.memref_slice %arg2[%dma_wait3A_24, %dma_wait3A_25] : memref<16384x512xf32, #tpu.memory_space<hbm>> -> memref<16384x512xf32, #tpu.memory_space<hbm>>
    tpu.wait_indirect_dma semaphore(%arg9 : memref<!tpu.dma_semaphore, #tpu.memory_space<semaphore_mem>>) src(%dma_wait3A_26 : memref<16384x512xf32, #tpu.memory_space<hbm>>) dst(%arg7 : memref<64x512xf32, #tpu.memory_space<vmem>>)
    %dma_wait3A_27 = arith.constant 0 : i32
    %dma_wait3A_28 = tpu.memref_slice %arg4[%add3A_17, %dma_wait3A_27] : memref<16384x512xf32, #tpu.memory_space<hbm>> -> memref<64x512xf32, #tpu.memory_space<hbm>>
    %dma_wait3A_29 = arith.constant 0 : i32
    %dma_wait3A_30 = tpu.memref_slice %arg4[%add3A_17, %dma_wait3A_29] : memref<16384x512xf32, #tpu.memory_space<hbm>> -> memref<64x512xf32, #tpu.memory_space<hbm>>
    tpu.wait_dma2 semaphore(%arg10 : memref<!tpu.dma_semaphore, #tpu.memory_space<semaphore_mem>>) src(%arg6 : memref<64x512xf32, #tpu.memory_space<vmem>>) dst(%dma_wait3A_30 : memref<64x512xf32, #tpu.memory_space<hbm>>)
    %dma_start3A_31 = arith.constant 128 : i32
    %dma_start3A_32 = tpu.memref_slice %arg5[%dma_start3A_31] : memref<512xi32, #tpu.memory_space<vmem>> -> memref<64xi32, #tpu.memory_space<vmem>>
    %dma_start3A_33 = arith.constant 0 : i32
    %dma_start3A_34 = arith.constant 0 : i32
    %dma_start3A_35 = tpu.memref_slice %arg2[%dma_start3A_33, %dma_start3A_34] : memref<16384x512xf32, #tpu.memory_space<hbm>> -> memref<16384x512xf32, #tpu.memory_space<hbm>>
    tpu.enqueue_indirect_dma source(%dma_start3A_35 : memref<16384x512xf32, #tpu.memory_space<hbm>>) target(%arg6 : memref<64x512xf32, #tpu.memory_space<vmem>>) offsets(%dma_start3A_32 : memref<64xi32, #tpu.memory_space<vmem>>) semaphore(%arg8 : memref<!tpu.dma_semaphore, #tpu.memory_space<semaphore_mem>>)
    %add3A_36 = arith.constant 64 : i32
    %add3A_37 = arith.addi %mul3A_2, %add3A_36 : i32
    %dma_start3A_38 = arith.constant 0 : i32
    %dma_start3A_39 = tpu.memref_slice %arg4[%add3A_37, %dma_start3A_38] : memref<16384x512xf32, #tpu.memory_space<hbm>> -> memref<64x512xf32, #tpu.memory_space<hbm>>
    %dma_start3A_40 = arith.constant 0 : i32
    %dma_start3A_41 = tpu.memref_slice %arg4[%add3A_37, %dma_start3A_40] : memref<16384x512xf32, #tpu.memory_space<hbm>> -> memref<64x512xf32, #tpu.memory_space<hbm>>
    tpu.enqueue_dma source(%arg7 : memref<64x512xf32, #tpu.memory_space<vmem>>) target(%dma_start3A_41 : memref<64x512xf32, #tpu.memory_space<hbm>>) target_semaphore(%arg11 : memref<!tpu.dma_semaphore, #tpu.memory_space<semaphore_mem>>)
    %dma_wait3A_42 = arith.constant 128 : i32
    %dma_wait3A_43 = tpu.memref_slice %arg5[%dma_wait3A_42] : memref<512xi32, #tpu.memory_space<vmem>> -> memref<64xi32, #tpu.memory_space<vmem>>
    %dma_wait3A_44 = arith.constant 0 : i32
    %dma_wait3A_45 = arith.constant 0 : i32
    %dma_wait3A_46 = tpu.memref_slice %arg2[%dma_wait3A_44, %dma_wait3A_45] : memref<16384x512xf32, #tpu.memory_space<hbm>> -> memref<16384x512xf32, #tpu.memory_space<hbm>>
    tpu.wait_indirect_dma semaphore(%arg8 : memref<!tpu.dma_semaphore, #tpu.memory_space<semaphore_mem>>) src(%dma_wait3A_46 : memref<16384x512xf32, #tpu.memory_space<hbm>>) dst(%arg6 : memref<64x512xf32, #tpu.memory_space<vmem>>)
    %dma_wait3A_47 = arith.constant 0 : i32
    %dma_wait3A_48 = tpu.memref_slice %arg4[%add3A_37, %dma_wait3A_47] : memref<16384x512xf32, #tpu.memory_space<hbm>> -> memref<64x512xf32, #tpu.memory_space<hbm>>
    %dma_wait3A_49 = arith.constant 0 : i32
    %dma_wait3A_50 = tpu.memref_slice %arg4[%add3A_37, %dma_wait3A_49] : memref<16384x512xf32, #tpu.memory_space<hbm>> -> memref<64x512xf32, #tpu.memory_space<hbm>>
    tpu.wait_dma2 semaphore(%arg11 : memref<!tpu.dma_semaphore, #tpu.memory_space<semaphore_mem>>) src(%arg7 : memref<64x512xf32, #tpu.memory_space<vmem>>) dst(%dma_wait3A_50 : memref<64x512xf32, #tpu.memory_space<hbm>>)
    %dma_start3A_51 = arith.constant 192 : i32
    %dma_start3A_52 = tpu.memref_slice %arg5[%dma_start3A_51] : memref<512xi32, #tpu.memory_space<vmem>> -> memref<64xi32, #tpu.memory_space<vmem>>
    %dma_start3A_53 = arith.constant 0 : i32
    %dma_start3A_54 = arith.constant 0 : i32
    %dma_start3A_55 = tpu.memref_slice %arg2[%dma_start3A_53, %dma_start3A_54] : memref<16384x512xf32, #tpu.memory_space<hbm>> -> memref<16384x512xf32, #tpu.memory_space<hbm>>
    tpu.enqueue_indirect_dma source(%dma_start3A_55 : memref<16384x512xf32, #tpu.memory_space<hbm>>) target(%arg7 : memref<64x512xf32, #tpu.memory_space<vmem>>) offsets(%dma_start3A_52 : memref<64xi32, #tpu.memory_space<vmem>>) semaphore(%arg9 : memref<!tpu.dma_semaphore, #tpu.memory_space<semaphore_mem>>)
    %add3A_56 = arith.constant 128 : i32
    %add3A_57 = arith.addi %mul3A_2, %add3A_56 : i32
    %dma_start3A_58 = arith.constant 0 : i32
    %dma_start3A_59 = tpu.memref_slice %arg4[%add3A_57, %dma_start3A_58] : memref<16384x512xf32, #tpu.memory_space<hbm>> -> memref<64x512xf32, #tpu.memory_space<hbm>>
    %dma_start3A_60 = arith.constant 0 : i32
    %dma_start3A_61 = tpu.memref_slice %arg4[%add3A_57, %dma_start3A_60] : memref<16384x512xf32, #tpu.memory_space<hbm>> -> memref<64x512xf32, #tpu.memory_space<hbm>>
    tpu.enqueue_dma source(%arg6 : memref<64x512xf32, #tpu.memory_space<vmem>>) target(%dma_start3A_61 : memref<64x512xf32, #tpu.memory_space<hbm>>) target_semaphore(%arg10 : memref<!tpu.dma_semaphore, #tpu.memory_space<semaphore_mem>>)
    %dma_wait3A_62 = arith.constant 192 : i32
    %dma_wait3A_63 = tpu.memref_slice %arg5[%dma_wait3A_62] : memref<512xi32, #tpu.memory_space<vmem>> -> memref<64xi32, #tpu.memory_space<vmem>>
    %dma_wait3A_64 = arith.constant 0 : i32
    %dma_wait3A_65 = arith.constant 0 : i32
    %dma_wait3A_66 = tpu.memref_slice %arg2[%dma_wait3A_64, %dma_wait3A_65] : memref<16384x512xf32, #tpu.memory_space<hbm>> -> memref<16384x512xf32, #tpu.memory_space<hbm>>
    tpu.wait_indirect_dma semaphore(%arg9 : memref<!tpu.dma_semaphore, #tpu.memory_space<semaphore_mem>>) src(%dma_wait3A_66 : memref<16384x512xf32, #tpu.memory_space<hbm>>) dst(%arg7 : memref<64x512xf32, #tpu.memory_space<vmem>>)
    %dma_wait3A_67 = arith.constant 0 : i32
    %dma_wait3A_68 = tpu.memref_slice %arg4[%add3A_57, %dma_wait3A_67] : memref<16384x512xf32, #tpu.memory_space<hbm>> -> memref<64x512xf32, #tpu.memory_space<hbm>>
    %dma_wait3A_69 = arith.constant 0 : i32
    %dma_wait3A_70 = tpu.memref_slice %arg4[%add3A_57, %dma_wait3A_69] : memref<16384x512xf32, #tpu.memory_space<hbm>> -> memref<64x512xf32, #tpu.memory_space<hbm>>
    tpu.wait_dma2 semaphore(%arg10 : memref<!tpu.dma_semaphore, #tpu.memory_space<semaphore_mem>>) src(%arg6 : memref<64x512xf32, #tpu.memory_space<vmem>>) dst(%dma_wait3A_70 : memref<64x512xf32, #tpu.memory_space<hbm>>)
    %dma_start3A_71 = arith.constant 256 : i32
    %dma_start3A_72 = tpu.memref_slice %arg5[%dma_start3A_71] : memref<512xi32, #tpu.memory_space<vmem>> -> memref<64xi32, #tpu.memory_space<vmem>>
    %dma_start3A_73 = arith.constant 0 : i32
    %dma_start3A_74 = arith.constant 0 : i32
    %dma_start3A_75 = tpu.memref_slice %arg2[%dma_start3A_73, %dma_start3A_74] : memref<16384x512xf32, #tpu.memory_space<hbm>> -> memref<16384x512xf32, #tpu.memory_space<hbm>>
    tpu.enqueue_indirect_dma source(%dma_start3A_75 : memref<16384x512xf32, #tpu.memory_space<hbm>>) target(%arg6 : memref<64x512xf32, #tpu.memory_space<vmem>>) offsets(%dma_start3A_72 : memref<64xi32, #tpu.memory_space<vmem>>) semaphore(%arg8 : memref<!tpu.dma_semaphore, #tpu.memory_space<semaphore_mem>>)
    %add3A_76 = arith.constant 192 : i32
    %add3A_77 = arith.addi %mul3A_2, %add3A_76 : i32
    %dma_start3A_78 = arith.constant 0 : i32
    %dma_start3A_79 = tpu.memref_slice %arg4[%add3A_77, %dma_start3A_78] : memref<16384x512xf32, #tpu.memory_space<hbm>> -> memref<64x512xf32, #tpu.memory_space<hbm>>
    %dma_start3A_80 = arith.constant 0 : i32
    %dma_start3A_81 = tpu.memref_slice %arg4[%add3A_77, %dma_start3A_80] : memref<16384x512xf32, #tpu.memory_space<hbm>> -> memref<64x512xf32, #tpu.memory_space<hbm>>
    tpu.enqueue_dma source(%arg7 : memref<64x512xf32, #tpu.memory_space<vmem>>) target(%dma_start3A_81 : memref<64x512xf32, #tpu.memory_space<hbm>>) target_semaphore(%arg11 : memref<!tpu.dma_semaphore, #tpu.memory_space<semaphore_mem>>)
    %dma_wait3A_82 = arith.constant 256 : i32
    %dma_wait3A_83 = tpu.memref_slice %arg5[%dma_wait3A_82] : memref<512xi32, #tpu.memory_space<vmem>> -> memref<64xi32, #tpu.memory_space<vmem>>
    %dma_wait3A_84 = arith.constant 0 : i32
    %dma_wait3A_85 = arith.constant 0 : i32
    %dma_wait3A_86 = tpu.memref_slice %arg2[%dma_wait3A_84, %dma_wait3A_85] : memref<16384x512xf32, #tpu.memory_space<hbm>> -> memref<16384x512xf32, #tpu.memory_space<hbm>>
    tpu.wait_indirect_dma semaphore(%arg8 : memref<!tpu.dma_semaphore, #tpu.memory_space<semaphore_mem>>) src(%dma_wait3A_86 : memref<16384x512xf32, #tpu.memory_space<hbm>>) dst(%arg6 : memref<64x512xf32, #tpu.memory_space<vmem>>)
    %dma_wait3A_87 = arith.constant 0 : i32
    %dma_wait3A_88 = tpu.memref_slice %arg4[%add3A_77, %dma_wait3A_87] : memref<16384x512xf32, #tpu.memory_space<hbm>> -> memref<64x512xf32, #tpu.memory_space<hbm>>
    %dma_wait3A_89 = arith.constant 0 : i32
    %dma_wait3A_90 = tpu.memref_slice %arg4[%add3A_77, %dma_wait3A_89] : memref<16384x512xf32, #tpu.memory_space<hbm>> -> memref<64x512xf32, #tpu.memory_space<hbm>>
    tpu.wait_dma2 semaphore(%arg11 : memref<!tpu.dma_semaphore, #tpu.memory_space<semaphore_mem>>) src(%arg7 : memref<64x512xf32, #tpu.memory_space<vmem>>) dst(%dma_wait3A_90 : memref<64x512xf32, #tpu.memory_space<hbm>>)
    %dma_start3A_91 = arith.constant 320 : i32
    %dma_start3A_92 = tpu.memref_slice %arg5[%dma_start3A_91] : memref<512xi32, #tpu.memory_space<vmem>> -> memref<64xi32, #tpu.memory_space<vmem>>
    %dma_start3A_93 = arith.constant 0 : i32
    %dma_start3A_94 = arith.constant 0 : i32
    %dma_start3A_95 = tpu.memref_slice %arg2[%dma_start3A_93, %dma_start3A_94] : memref<16384x512xf32, #tpu.memory_space<hbm>> -> memref<16384x512xf32, #tpu.memory_space<hbm>>
    tpu.enqueue_indirect_dma source(%dma_start3A_95 : memref<16384x512xf32, #tpu.memory_space<hbm>>) target(%arg7 : memref<64x512xf32, #tpu.memory_space<vmem>>) offsets(%dma_start3A_92 : memref<64xi32, #tpu.memory_space<vmem>>) semaphore(%arg9 : memref<!tpu.dma_semaphore, #tpu.memory_space<semaphore_mem>>)
    %add3A_96 = arith.constant 256 : i32
    %add3A_97 = arith.addi %mul3A_2, %add3A_96 : i32
    %dma_start3A_98 = arith.constant 0 : i32
    %dma_start3A_99 = tpu.memref_slice %arg4[%add3A_97, %dma_start3A_98] : memref<16384x512xf32, #tpu.memory_space<hbm>> -> memref<64x512xf32, #tpu.memory_space<hbm>>
    %dma_start3A_100 = arith.constant 0 : i32
    %dma_start3A_101 = tpu.memref_slice %arg4[%add3A_97, %dma_start3A_100] : memref<16384x512xf32, #tpu.memory_space<hbm>> -> memref<64x512xf32, #tpu.memory_space<hbm>>
    tpu.enqueue_dma source(%arg6 : memref<64x512xf32, #tpu.memory_space<vmem>>) target(%dma_start3A_101 : memref<64x512xf32, #tpu.memory_space<hbm>>) target_semaphore(%arg10 : memref<!tpu.dma_semaphore, #tpu.memory_space<semaphore_mem>>)
    %dma_wait3A_102 = arith.constant 320 : i32
    %dma_wait3A_103 = tpu.memref_slice %arg5[%dma_wait3A_102] : memref<512xi32, #tpu.memory_space<vmem>> -> memref<64xi32, #tpu.memory_space<vmem>>
    %dma_wait3A_104 = arith.constant 0 : i32
    %dma_wait3A_105 = arith.constant 0 : i32
    %dma_wait3A_106 = tpu.memref_slice %arg2[%dma_wait3A_104, %dma_wait3A_105] : memref<16384x512xf32, #tpu.memory_space<hbm>> -> memref<16384x512xf32, #tpu.memory_space<hbm>>
    tpu.wait_indirect_dma semaphore(%arg9 : memref<!tpu.dma_semaphore, #tpu.memory_space<semaphore_mem>>) src(%dma_wait3A_106 : memref<16384x512xf32, #tpu.memory_space<hbm>>) dst(%arg7 : memref<64x512xf32, #tpu.memory_space<vmem>>)
    %dma_wait3A_107 = arith.constant 0 : i32
    %dma_wait3A_108 = tpu.memref_slice %arg4[%add3A_97, %dma_wait3A_107] : memref<16384x512xf32, #tpu.memory_space<hbm>> -> memref<64x512xf32, #tpu.memory_space<hbm>>
    %dma_wait3A_109 = arith.constant 0 : i32
    %dma_wait3A_110 = tpu.memref_slice %arg4[%add3A_97, %dma_wait3A_109] : memref<16384x512xf32, #tpu.memory_space<hbm>> -> memref<64x512xf32, #tpu.memory_space<hbm>>
    tpu.wait_dma2 semaphore(%arg10 : memref<!tpu.dma_semaphore, #tpu.memory_space<semaphore_mem>>) src(%arg6 : memref<64x512xf32, #tpu.memory_space<vmem>>) dst(%dma_wait3A_110 : memref<64x512xf32, #tpu.memory_space<hbm>>)
    %dma_start3A_111 = arith.constant 384 : i32
    %dma_start3A_112 = tpu.memref_slice %arg5[%dma_start3A_111] : memref<512xi32, #tpu.memory_space<vmem>> -> memref<64xi32, #tpu.memory_space<vmem>>
    %dma_start3A_113 = arith.constant 0 : i32
    %dma_start3A_114 = arith.constant 0 : i32
    %dma_start3A_115 = tpu.memref_slice %arg2[%dma_start3A_113, %dma_start3A_114] : memref<16384x512xf32, #tpu.memory_space<hbm>> -> memref<16384x512xf32, #tpu.memory_space<hbm>>
    tpu.enqueue_indirect_dma source(%dma_start3A_115 : memref<16384x512xf32, #tpu.memory_space<hbm>>) target(%arg6 : memref<64x512xf32, #tpu.memory_space<vmem>>) offsets(%dma_start3A_112 : memref<64xi32, #tpu.memory_space<vmem>>) semaphore(%arg8 : memref<!tpu.dma_semaphore, #tpu.memory_space<semaphore_mem>>)
    %add3A_116 = arith.constant 320 : i32
    %add3A_117 = arith.addi %mul3A_2, %add3A_116 : i32
    %dma_start3A_118 = arith.constant 0 : i32
    %dma_start3A_119 = tpu.memref_slice %arg4[%add3A_117, %dma_start3A_118] : memref<16384x512xf32, #tpu.memory_space<hbm>> -> memref<64x512xf32, #tpu.memory_space<hbm>>
    %dma_start3A_120 = arith.constant 0 : i32
    %dma_start3A_121 = tpu.memref_slice %arg4[%add3A_117, %dma_start3A_120] : memref<16384x512xf32, #tpu.memory_space<hbm>> -> memref<64x512xf32, #tpu.memory_space<hbm>>
    tpu.enqueue_dma source(%arg7 : memref<64x512xf32, #tpu.memory_space<vmem>>) target(%dma_start3A_121 : memref<64x512xf32, #tpu.memory_space<hbm>>) target_semaphore(%arg11 : memref<!tpu.dma_semaphore, #tpu.memory_space<semaphore_mem>>)
    %dma_wait3A_122 = arith.constant 384 : i32
    %dma_wait3A_123 = tpu.memref_slice %arg5[%dma_wait3A_122] : memref<512xi32, #tpu.memory_space<vmem>> -> memref<64xi32, #tpu.memory_space<vmem>>
    %dma_wait3A_124 = arith.constant 0 : i32
    %dma_wait3A_125 = arith.constant 0 : i32
    %dma_wait3A_126 = tpu.memref_slice %arg2[%dma_wait3A_124, %dma_wait3A_125] : memref<16384x512xf32, #tpu.memory_space<hbm>> -> memref<16384x512xf32, #tpu.memory_space<hbm>>
    tpu.wait_indirect_dma semaphore(%arg8 : memref<!tpu.dma_semaphore, #tpu.memory_space<semaphore_mem>>) src(%dma_wait3A_126 : memref<16384x512xf32, #tpu.memory_space<hbm>>) dst(%arg6 : memref<64x512xf32, #tpu.memory_space<vmem>>)
    %dma_wait3A_127 = arith.constant 0 : i32
    %dma_wait3A_128 = tpu.memref_slice %arg4[%add3A_117, %dma_wait3A_127] : memref<16384x512xf32, #tpu.memory_space<hbm>> -> memref<64x512xf32, #tpu.memory_space<hbm>>
    %dma_wait3A_129 = arith.constant 0 : i32
    %dma_wait3A_130 = tpu.memref_slice %arg4[%add3A_117, %dma_wait3A_129] : memref<16384x512xf32, #tpu.memory_space<hbm>> -> memref<64x512xf32, #tpu.memory_space<hbm>>
    tpu.wait_dma2 semaphore(%arg11 : memref<!tpu.dma_semaphore, #tpu.memory_space<semaphore_mem>>) src(%arg7 : memref<64x512xf32, #tpu.memory_space<vmem>>) dst(%dma_wait3A_130 : memref<64x512xf32, #tpu.memory_space<hbm>>)
    %dma_start3A_131 = arith.constant 448 : i32
    %dma_start3A_132 = tpu.memref_slice %arg5[%dma_start3A_131] : memref<512xi32, #tpu.memory_space<vmem>> -> memref<64xi32, #tpu.memory_space<vmem>>
    %dma_start3A_133 = arith.constant 0 : i32
    %dma_start3A_134 = arith.constant 0 : i32
    %dma_start3A_135 = tpu.memref_slice %arg2[%dma_start3A_133, %dma_start3A_134] : memref<16384x512xf32, #tpu.memory_space<hbm>> -> memref<16384x512xf32, #tpu.memory_space<hbm>>
    tpu.enqueue_indirect_dma source(%dma_start3A_135 : memref<16384x512xf32, #tpu.memory_space<hbm>>) target(%arg7 : memref<64x512xf32, #tpu.memory_space<vmem>>) offsets(%dma_start3A_132 : memref<64xi32, #tpu.memory_space<vmem>>) semaphore(%arg9 : memref<!tpu.dma_semaphore, #tpu.memory_space<semaphore_mem>>)
    %add3A_136 = arith.constant 384 : i32
    %add3A_137 = arith.addi %mul3A_2, %add3A_136 : i32
    %dma_start3A_138 = arith.constant 0 : i32
    %dma_start3A_139 = tpu.memref_slice %arg4[%add3A_137, %dma_start3A_138] : memref<16384x512xf32, #tpu.memory_space<hbm>> -> memref<64x512xf32, #tpu.memory_space<hbm>>
    %dma_start3A_140 = arith.constant 0 : i32
    %dma_start3A_141 = tpu.memref_slice %arg4[%add3A_137, %dma_start3A_140] : memref<16384x512xf32, #tpu.memory_space<hbm>> -> memref<64x512xf32, #tpu.memory_space<hbm>>
    tpu.enqueue_dma source(%arg6 : memref<64x512xf32, #tpu.memory_space<vmem>>) target(%dma_start3A_141 : memref<64x512xf32, #tpu.memory_space<hbm>>) target_semaphore(%arg10 : memref<!tpu.dma_semaphore, #tpu.memory_space<semaphore_mem>>)
    %dma_wait3A_142 = arith.constant 448 : i32
    %dma_wait3A_143 = tpu.memref_slice %arg5[%dma_wait3A_142] : memref<512xi32, #tpu.memory_space<vmem>> -> memref<64xi32, #tpu.memory_space<vmem>>
    %dma_wait3A_144 = arith.constant 0 : i32
    %dma_wait3A_145 = arith.constant 0 : i32
    %dma_wait3A_146 = tpu.memref_slice %arg2[%dma_wait3A_144, %dma_wait3A_145] : memref<16384x512xf32, #tpu.memory_space<hbm>> -> memref<16384x512xf32, #tpu.memory_space<hbm>>
    tpu.wait_indirect_dma semaphore(%arg9 : memref<!tpu.dma_semaphore, #tpu.memory_space<semaphore_mem>>) src(%dma_wait3A_146 : memref<16384x512xf32, #tpu.memory_space<hbm>>) dst(%arg7 : memref<64x512xf32, #tpu.memory_space<vmem>>)
    %add3A_147 = arith.constant 448 : i32
    %add3A_148 = arith.addi %mul3A_2, %add3A_147 : i32
    %dma_start3A_149 = arith.constant 0 : i32
    %dma_start3A_150 = tpu.memref_slice %arg4[%add3A_148, %dma_start3A_149] : memref<16384x512xf32, #tpu.memory_space<hbm>> -> memref<64x512xf32, #tpu.memory_space<hbm>>
    %dma_start3A_151 = arith.constant 0 : i32
    %dma_start3A_152 = tpu.memref_slice %arg4[%add3A_148, %dma_start3A_151] : memref<16384x512xf32, #tpu.memory_space<hbm>> -> memref<64x512xf32, #tpu.memory_space<hbm>>
    tpu.enqueue_dma source(%arg7 : memref<64x512xf32, #tpu.memory_space<vmem>>) target(%dma_start3A_152 : memref<64x512xf32, #tpu.memory_space<hbm>>) target_semaphore(%arg11 : memref<!tpu.dma_semaphore, #tpu.memory_space<semaphore_mem>>)
    %dma_wait3A_153 = arith.constant 0 : i32
    %dma_wait3A_154 = tpu.memref_slice %arg4[%add3A_137, %dma_wait3A_153] : memref<16384x512xf32, #tpu.memory_space<hbm>> -> memref<64x512xf32, #tpu.memory_space<hbm>>
    %dma_wait3A_155 = arith.constant 0 : i32
    %dma_wait3A_156 = tpu.memref_slice %arg4[%add3A_137, %dma_wait3A_155] : memref<16384x512xf32, #tpu.memory_space<hbm>> -> memref<64x512xf32, #tpu.memory_space<hbm>>
    tpu.wait_dma2 semaphore(%arg10 : memref<!tpu.dma_semaphore, #tpu.memory_space<semaphore_mem>>) src(%arg6 : memref<64x512xf32, #tpu.memory_space<vmem>>) dst(%dma_wait3A_156 : memref<64x512xf32, #tpu.memory_space<hbm>>)
    %dma_wait3A_157 = arith.constant 0 : i32
    %dma_wait3A_158 = tpu.memref_slice %arg4[%add3A_148, %dma_wait3A_157] : memref<16384x512xf32, #tpu.memory_space<hbm>> -> memref<64x512xf32, #tpu.memory_space<hbm>>
    %dma_wait3A_159 = arith.constant 0 : i32
    %dma_wait3A_160 = tpu.memref_slice %arg4[%add3A_148, %dma_wait3A_159] : memref<16384x512xf32, #tpu.memory_space<hbm>> -> memref<64x512xf32, #tpu.memory_space<hbm>>
    tpu.wait_dma2 semaphore(%arg11 : memref<!tpu.dma_semaphore, #tpu.memory_space<semaphore_mem>>) src(%arg7 : memref<64x512xf32, #tpu.memory_space<vmem>>) dst(%dma_wait3A_160 : memref<64x512xf32, #tpu.memory_space<hbm>>)
    return
  }
}

module attributes {stable_mosaic.version = 14 : i64} {
  func.func @_argmin_kernel(%arg0: i32, %arg1: i32, %arg2: memref<1x256x3xf32, #tpu.memory_space<vmem>>, %arg3: memref<1x3x2048xf32, #tpu.memory_space<vmem>>, %arg4: memref<1x1x256xi32, #tpu.memory_space<vmem>>) attributes {dimension_semantics = [#tpu.dimension_semantics<arbitrary>, #tpu.dimension_semantics<arbitrary>], iteration_bounds = array<i64: 8, 8>, scalar_prefetch = 0 : i64, scratch_operands = 0 : i64, tpu.core_type = #tpu.core_type<tc>, window_params = [{transform_indices = @transform_0, window_bounds = array<i64: 1, 256, 3>}, {transform_indices = @transform_1, window_bounds = array<i64: 1, 3, 2048>}, {transform_indices = @transform_2, window_bounds = array<i64: 1, 1, 256>}]} {
    %get3A = arith.constant 0 : index
    %get3A_0 = arith.constant 0 : index
    %get3A_1 = arith.constant 0 : index
    %get3A_2 = vector.load %arg2[%get3A, %get3A_0, %get3A_1] : memref<1x256x3xf32, #tpu.memory_space<vmem>>, vector<1x256x3xf32>
    %get3A_3 = vector.shape_cast %get3A_2 : vector<1x256x3xf32> to vector<256x3xf32>
    %get3A_4 = arith.constant 0 : index
    %get3A_5 = arith.constant 0 : index
    %get3A_6 = arith.constant 0 : index
    %get3A_7 = vector.load %arg3[%get3A_4, %get3A_5, %get3A_6] : memref<1x3x2048xf32, #tpu.memory_space<vmem>>, vector<1x3x2048xf32>
    %get3A_8 = vector.shape_cast %get3A_7 : vector<1x3x2048xf32> to vector<3x2048xf32>
    %mul3A = arith.mulf %get3A_3, %get3A_3 : vector<256x3xf32>
    %reduce_sum3A = arith.constant dense<0.000000e+00> : vector<256xf32>
    %reduce_sum3A_9 = vector.multi_reduction <add>, %mul3A, %reduce_sum3A [1] : vector<256x3xf32> to vector<256xf32>
    %broadcast_in_dim3A = vector.shape_cast %reduce_sum3A_9 : vector<256xf32> to vector<256x1xf32>
    %mul3A_10 = arith.mulf %get3A_8, %get3A_8 : vector<3x2048xf32>
    %reduce_sum3A_11 = arith.constant dense<0.000000e+00> : vector<2048xf32>
    %reduce_sum3A_12 = vector.multi_reduction <add>, %mul3A_10, %reduce_sum3A_11 [0] : vector<3x2048xf32> to vector<2048xf32>
    %broadcast_in_dim3A_13 = vector.shape_cast %reduce_sum3A_12 : vector<2048xf32> to vector<1x2048xf32>
    %mul3A_14 = arith.constant -2.000000e+00 : f32
    %mul3A_15 = vector.broadcast %mul3A_14 : f32 to vector<256x3xf32>
    %mul3A_16 = arith.mulf %mul3A_15, %get3A_3 : vector<256x3xf32>
    %dot_general3A = arith.constant dense<0.000000e+00> : vector<256x2048xf32>
    %dot_general3A_17 = tpu.matmul %mul3A_16, %get3A_8, %dot_general3A {dimension_numbers = #tpu.dot_dimension_numbers<[1], [0], [0], [1], [0, 0, 1, 1], [], []>, transpose_lhs_hint = false} : vector<256x3xf32>, vector<3x2048xf32>, vector<256x2048xf32> -> vector<256x2048xf32>
    %add3A = vector.broadcast %broadcast_in_dim3A : vector<256x1xf32> to vector<256x2048xf32>
    %add3A_18 = arith.addf %add3A, %dot_general3A_17 : vector<256x2048xf32>
    %add3A_19 = vector.broadcast %broadcast_in_dim3A_13 : vector<1x2048xf32> to vector<256x2048xf32>
    %add3A_20 = arith.addf %add3A_18, %add3A_19 : vector<256x2048xf32>
    %reduce_min3A = arith.constant dense<0x7F800000> : vector<256xf32>
    %reduce_min3A_21 = vector.multi_reduction <minimumf>, %add3A_20, %reduce_min3A [1] : vector<256x2048xf32> to vector<256xf32>
    %broadcast_in_dim3A_22 = vector.shape_cast %reduce_min3A_21 : vector<256xf32> to vector<256x1xf32>
    %max3A = arith.constant 0.000000e+00 : f32
    %max3A_23 = vector.broadcast %max3A : f32 to vector<256x1xf32>
    %max3A_24 = arith.maximumf %broadcast_in_dim3A_22, %max3A_23 : vector<256x1xf32>
    %iota3A = tpu.iota {dimensions = array<i32: 1>} : vector<1x2048xi32>
    %convert_element_type3A = arith.sitofp %iota3A : vector<1x2048xi32> to vector<1x2048xf32>
    %le3A = vector.broadcast %max3A_24 : vector<256x1xf32> to vector<256x2048xf32>
    %le3A_25 = arith.cmpf ole, %add3A_20, %le3A : vector<256x2048xf32>
    %jit3A = arith.constant 2.048000e+03 : f32
    %broadcast_in_dim3A_26 = vector.shape_cast %convert_element_type3A : vector<1x2048xf32> to vector<1x2048xf32>
    %broadcast_in_dim3A_27 = vector.broadcast %broadcast_in_dim3A_26 : vector<1x2048xf32> to vector<256x2048xf32>
    %broadcast_in_dim3A_28 = vector.broadcast %jit3A : f32 to vector<256x2048xf32>
    %select_n3A = arith.select %le3A_25, %broadcast_in_dim3A_27, %broadcast_in_dim3A_28 : vector<256x2048xi1>, vector<256x2048xf32>
    %reduce_min3A_29 = arith.constant dense<0x7F800000> : vector<256xf32>
    %reduce_min3A_30 = vector.multi_reduction <minimumf>, %select_n3A, %reduce_min3A_29 [1] : vector<256x2048xf32> to vector<256xf32>
    %convert_element_type3A_31 = arith.fptosi %reduce_min3A_30 : vector<256xf32> to vector<256xi32>
    %mul3A_32 = arith.constant 2048 : i32
    %mul3A_33 = arith.muli %arg0, %mul3A_32 : i32
    %add3A_34 = vector.broadcast %mul3A_33 : i32 to vector<256xi32>
    %add3A_35 = arith.addi %convert_element_type3A_31, %add3A_34 : vector<256xi32>
    %swap3A = arith.constant 0 : index
    %swap3A_36 = arith.constant 0 : index
    %swap3A_37 = arith.constant 0 : index
    %swap3A_38 = vector.load %arg4[%swap3A, %swap3A_36, %swap3A_37] : memref<1x1x256xi32, #tpu.memory_space<vmem>>, vector<1x1x256xi32>
    %swap3A_39 = vector.shape_cast %swap3A_38 : vector<1x1x256xi32> to vector<256xi32>
    %swap3A_40 = vector.shape_cast %add3A_35 : vector<256xi32> to vector<1x1x256xi32>
    tpu.vector_store %arg4[%swap3A, %swap3A_36, %swap3A_37], %swap3A_40 {strides = array<i32>} : memref<1x1x256xi32, #tpu.memory_space<vmem>>, vector<1x1x256xi32>,
    return
  }
  func.func @transform_0(%arg0: i32, %arg1: i32) -> (i32, i32, i32) {
    %c0_i32 = arith.constant 0 : i32
    %c0_i32_0 = arith.constant 0 : i32
    return %arg0, %arg1, %c0_i32 : i32, i32, i32
  }
  func.func @transform_1(%arg0: i32, %arg1: i32) -> (i32, i32, i32) {
    %c0_i32 = arith.constant 0 : i32
    %c0_i32_0 = arith.constant 0 : i32
    %c0_i32_1 = arith.constant 0 : i32
    return %arg0, %c0_i32, %c0_i32_0 : i32, i32, i32
  }
  func.func @transform_2(%arg0: i32, %arg1: i32) -> (i32, i32, i32) {
    %c0_i32 = arith.constant 0 : i32
    %c0_i32_0 = arith.constant 0 : i32
    return %arg0, %c0_i32, %arg1 : i32, i32, i32
  }
}

</mosaic_0001>

<sc_bundles>
// kernel: kernel.4.cloned.1.call-start
scs
__scs_entry_jumppad:
0x0: {  	(pc) =	sbr.rel $0x88, $3  }
0x1: {  	(tag) =	ssettag $0x0;
	lr =	simm.s32 $0x1  }
0x2: {  	[smem:$0x3F9E] =	sst lr;
	_ =	strace $0xD0000000  }
0x3: {  	_ = 	snop  }
0x4: {  	_ = 	snop  }
0x5: {  	_ = 	snop  }
0x6: {  	_ = 	snop  }
0x7: {  	_ = 	snop  }
__scs_overlays_trampoline_lowered:
0x8: {  	[smem:$0x3FAD] =	sst s0  }
0x9: {  	[smem:$0x3FAE] =	sst s1  }
0xa: {  	[smem:$0x3FAF] =	sst s2  }
0xb: {  	[smem:$0x3FB0] =	sst s3  }
0xc: {  	[smem:$0x3FB1] =	sst s4  }
0xd: {  	[smem:$0x3FB2] =	sst s5  }
0xe: {  	[smem:$0x3FB3] =	sst s6  }
0xf: {  	[smem:$0x3FB4] =	sst s7  }
0x10: {  	[smem:$0x3FB5] =	sst s8  }
0x11: {  	[smem:$0x3FB6] =	sst s9;
	s0 =	simm.s32 @!p0 $0x0  }
0x12: {  	s1 =	sld [smem:$0x3F9C];
	s0 =	simm.s32 @p0 $0x1  }
0x13: {  	[smem:$0x3FB7] =	sst s0;
	s0 =	simm.s32 @!p1 $0x0  }
0x14: {  	s2 =	sld [smem:$0x3F9B];
	s0 =	simm.s32 @p1 $0x1  }
0x15: {  	[smem:$0x3FB8] =	sst s0;
	s0 =	simm.s32 @!p2 $0x0  }
0x16: {  	s3 =	sld [smem:$0x3FDB];
	s0 =	simm.s32 @p2 $0x1  }
0x17: {  	s4 =	simm.s32 $0x1BF5;
	[smem:$0x3FBA] =	sst s0  }
0x18: {  	s0 =	sld [smem:$0x3F9D];
	_ =	swait.ge [sflag:s4], $0x0  }
0x19: {  	s7 =	sld [smem:$0x3F9E]  }
0x1a: {  	s8 =	sadd.s32 $0xFFFFE003, lr  }
0x1b: {  	s9 =	sadd.s32 $0xFFFFFEF7, lr;
	s5 =	simm.s32 $0xFFFFFFFF;
	p2 =	slt.u32 s8, $0xFFFFF086  }
0x1c: {  	p1 =	slt.u32 s9, $0xF7A;
	s5 =	simm.s32 @!p2 $0x0  }
0x1d: {  	s5 =	simm.s32 @p1 $0x1;
	p0 =	seq.s32 s7, s2  }
0x1e: {  	s7 =	smul.u32 @!p0 $0xF7A, s2;
	p2 =	seq.s32 @!p0 s5, $0x0  }
0x1f: {  	s9 =	smul.u32 $0xF7A, s1;
	s8 =	simm.s32 @!p0 $0x1BF5;
	p2 =	por !p2, p0  }
0x20: {  	[sflag:s8] =	ssyncset.s32 @!p0 $0xFFFFF086;
	s6 =	sadd.s32 @!p0 s3, s7;
	s7 =	simm.s32 @!p0 $0x108  }
0x21: {  	s3 =	sadd.s32 s3, s9;
	s6 =	sadd.s32 @!p0 $0x88, s6;
	s7 =	simm.s32 @p2 $0x1082  }
0x22: {  	[simem:s7], [sflag:s8] =	dma.local @!p0 [hbm:s6], $0xF7A  }
0x23: {  	s9 =	sor.u32 $0xD0000000, s2;
	s6 =	simm.s32 $0x108;
	_ =	swait.ge @!p0 [sflag:s8], $0x0  }
0x24: {  	s3 =	sadd.s32 $0x88, s3;
	s6 =	simm.s32 @!p1 $0x1082;
	[sflag:s4] =	ssyncset.s32 $0xFFFFF086  }
0x25: {  	[simem:s6], [sflag:s4] =	dma.local [hbm:s3], $0xF7A  }
0x26: {  	[smem:$0x3F9E] =	sst s1;
	(tag) =	ssettag s2;
	_ =	strace s9  }
0x27: {  	s1 =	sld [smem:$0x3FAE]  }
0x28: {  	s2 =	sld [smem:$0x3FAF]  }
0x29: {  	s4 =	sld [smem:$0x3FB1]  }
0x2a: {  	p0 =	seq.s32 s5, $0x0;
	s5 =	sld [smem:$0x3FB2]  }
0x2b: {  	s6 =	sld [smem:$0x3FB3]  }
0x2c: {  	s7 =	sld [smem:$0x3FB4]  }
0x2d: {  	s3 =	simm.s32 $0x108;
	s8 =	sld [smem:$0x3FB5]  }
0x2e: {  	s3 =	simm.s32 @!p0 $0x1082;
	s9 =	sld [smem:$0x3FB6]  }
0x2f: {  	lr =	sadd.s32 s0, s3;
	s0 =	sld [smem:$0x3FAD]  }
0x30: {  	s3 =	sld [smem:$0x3FB0]  }
0x31: {  	[smem:$0x3FB9] =	sst s10  }
0x32: {  	s10 =	sld [smem:$0x3FB7];
	_ =	sdelay $0x3  }
0x33: {  	p0 =	seq.s32 s10, $0x1;
	s10 =	sld [smem:$0x3FB9];
	_ =	sdelay $0x3  }
0x34: {  	[smem:$0x3FB9] =	sst s10  }
0x35: {  	s10 =	sld [smem:$0x3FB8];
	_ =	sdelay $0x3  }
0x36: {  	p1 =	seq.s32 s10, $0x1;
	s10 =	sld [smem:$0x3FB9];
	_ =	sdelay $0x3  }
0x37: {  	[smem:$0x3FB9] =	sst s10  }
0x38: {  	s10 =	sld [smem:$0x3FBA]  }
0x39: {  	_ = 	snop;
	(pc) =	sbr.ind lr, $3  }
0x3a: {  	_ = 	snop  }
0x3b: {  	_ = 	snop  }
0x3c: {  	p2 =	seq.s32 s10, $0x1;
	s10 =	sld [smem:$0x3FB9]  }
0x3d: {  	_ =	shalt  }
0x3e: {  	_ =	shalt  }
0x3f: {  	_ =	shalt  }
0x40: {  	_ =	shalt  }
0x41: {  	_ =	shalt  }
0x42: {  	_ =	shalt  }
0x43: {  	_ =	shalt  }
0x44: {  	_ =	shalt  }
0x45: {  	_ =	shalt  }
0x46: {  	_ =	shalt  }
0x47: {  	_ =	shalt  }
0x48: {  	_ =	shalt  }
0x49: {  	_ =	shalt  }
0x4a: {  	_ =	shalt  }
0x4b: {  	_ =	shalt  }
0x4c: {  	_ =	shalt  }
0x4d: {  	_ =	shalt  }
0x4e: {  	_ =	shalt  }
0x4f: {  	_ =	shalt  }
0x50: {  	_ =	shalt  }
0x51: {  	_ =	shalt  }
0x52: {  	_ =	shalt  }
0x53: {  	_ =	shalt  }
0x54: {  	_ =	shalt  }
0x55: {  	_ =	shalt  }
0x56: {  	_ =	shalt  }
0x57: {  	_ =	shalt  }
0x58: {  	_ =	shalt  }
0x59: {  	_ =	shalt  }
0x5a: {  	_ =	shalt  }
0x5b: {  	_ =	shalt  }
0x5c: {  	_ =	shalt  }
0x5d: {  	_ =	shalt  }
0x5e: {  	_ =	shalt  }
0x5f: {  	_ =	shalt  }
0x60: {  	_ =	shalt  }
0x61: {  	_ =	shalt  }
0x62: {  	_ =	shalt  }
0x63: {  	_ =	shalt  }
0x64: {  	_ =	shalt  }
0x65: {  	_ =	shalt  }
0x66: {  	_ =	shalt  }
0x67: {  	_ =	shalt  }
0x68: {  	_ =	shalt  }
0x69: {  	_ =	shalt  }
0x6a: {  	_ =	shalt  }
0x6b: {  	_ =	shalt  }
0x6c: {  	_ =	shalt  }
0x6d: {  	_ =	shalt  }
0x6e: {  	_ =	shalt  }
0x6f: {  	_ =	shalt  }
0x70: {  	_ =	shalt  }
0x71: {  	_ =	shalt  }
0x72: {  	_ =	shalt  }
0x73: {  	_ =	shalt  }
0x74: {  	_ =	shalt  }
0x75: {  	_ =	shalt  }
0x76: {  	_ =	shalt  }
0x77: {  	_ =	shalt  }
0x78: {  	_ =	shalt  }
0x79: {  	_ =	shalt  }
0x7a: {  	_ =	shalt  }
0x7b: {  	_ =	shalt  }
0x7c: {  	_ =	shalt  }
0x7d: {  	_ =	shalt  }
0x7e: {  	_ =	shalt  }
0x7f: {  	_ =	shalt  }
0x80: {  	_ =	shalt  }
0x81: {  	_ =	shalt  }
0x82: {  	_ =	shalt  }
0x83: {  	_ =	shalt  }
0x84: {  	_ =	shalt  }
0x85: {  	_ =	shalt  }
0x86: {  	_ =	shalt  }
0x87: {  	_ =	shalt  }
.Lfunc_end0:
.L_simem_size_0:
called_computation_lowered:
.L_overlay_start_0:
0x88: {  	s2 =	sld [smem:$0x3FD9]  }
0x89: {  	s3 =	sld [smem:$0x3FFE];
	_ =	sdelay $0x1  }
0x8a: {  	s1 =	srdreg.scid  }
0x8b: {  	s0 =	sand.u32 $0x1, s1  }
0x8c: {  	s17 =	sshll.u32 s0, $0xA;
	s2 =	sadd.s32 s3, s2  }
0x8d: {  	s2 =	sadd.s32 s2, s17  }
0x8e: {  	[smem:$0x3FC5] =	sst s2  }
0x8f: {  	_ = 	snop  }
0x90: {  	s2 =	sld [smem:$0x3FC7]  }
0x91: {  	s18 =	sld [smem:$0x3FD0];
	(tm) =	ssettm $0x1  }
0x92: {  	s4 =	sld [smem:$0x3FFB];
	_ =	sdelay $0x3  }
0x93: {  	_ =	strace s4  }
0x94: {  	s4 =	sld [smem:$0x3FFC];
	_ =	sdelay $0x3  }
0x95: {  	_ =	strace s4  }
0x96: {  	s4 =	sld [smem:$0x3FFD];
	_ =	sdelay $0x3  }
0x97: {  	_ =	strace s4  }
0x98: {  	_ =	strace $0x8FFFFFFF  }
0x99: {  	s19 =	sld [smem:$0x3FDB];
	_ =	sdelay $0x1  }
0x9a: {  	s5 =	simm.s32 $_scs_section_size  }
0x9b: {  	s6 =	simm.s32 $_size__tile_overlayer_lowered;
	s7 =	simm.s32 $_tile_overlayer_lowered  }
0x9c: {  	s22 =	simm.s32 $0x1BFF;
	s21 =	sshll.u32 s7, $0x1;
	s4 =	sadd.s32 s5, s19  }
0x9d: {  	s8 =	simm.s32 $0x0;
	s20 =	sshll.u32 s6, $0x1;
	s6 =	sadd.s32 s21, s4  }
0x9e: {  	[timem:s8], [sflag:s22] =	dma.local [hbm:s6], s20  }
0x9f: {  	_ =	swait.ge [sflag:s22], s20  }
0xa0: {  	s5 =	ssub.s32 $0x0, s20;
	[sflag:s22] =	ssyncset.done $0x0  }
0xa1: {  	[sflag:s22] =	ssyncadd.s32 s5;
	_ =	sdelay $0x1  }
0xa2: {  	s23 =	simm.s32 $0x1B8B  }
0xa3: {  	_ =	swait.ge [sflag:s23], $0x1  }
0xa4: {  	[sflag:s23] =	ssyncset.done $0x0  }
0xa5: {  	s25 =	simm.s32 $0x1B8E;
	s24 =	sld [smem:$0x3FFE];
	[sflag:s23] =	ssyncadd.s32 $0xFFFFFFFF  }
0xa6: {  	s26 =	simm.s32 $execute0_lowered;
	[smem:$0x3FD2] =	sst s25  }
0xa7: {  	s6 =	sshll.u32 s26, $0x1;
	_ =	strace $0x80000046;
	[dreg:$0x1] =	wrdreg $0xFFFFFFFF  }
0xa8: {  	s28 =	simm.s32 $_size_execute0_lowered;
	s4 =	sadd.s32 s4, s6;
	[dreg:$0x0] =	wrdreg $0x0  }
0xa9: {  	s6 =	sshll.u32 s28, $0x1;
	[dreg:$0x2] =	wrdreg s4  }
0xaa: {  	[dreg:$0x3] =	wrdreg s6  }
0xab: {  	[dreg:$0x4] =	wrdreg $0xC0  }
0xac: {  	_ =	task [dreg:s8], $0x5FFFF  }
0xad: {  	[dreg:$0x1] =	wrdreg $0xFFFFFFFF  }
0xae: {  	[dreg:$0x0] =	wrdreg $0x60  }
0xaf: {  	[dreg:$0x2] =	wrdreg s2  }
0xb0: {  	[dreg:$0x3] =	wrdreg s24  }
0xb1: {  	[dreg:$0x4] =	wrdreg s18  }
0xb2: {  	[dreg:$0x5] =	wrdreg $0x9  }
0xb3: {  	_ =	task.clear_ibuf [dreg:s8], $0x6FFFF;
	_ =	strace $0x90000046  }
0xb4: {  	s29 =	simm.s32 $0x9;
	_ =	strace $0x80000048  }
0xb5: {  	_ =	swait.ge [sflag:s29], $0x1  }
0xb6: {  	[sflag:s29] =	ssyncadd.s32 $0xFFFFFFFF  }
0xb7: {  	_ =	strace $0x90000048  }
0xb8: {  	_ =	sfence  }
0xb9: {  	s30 =	sld [smem:$0x0];
	_ =	sdelay $0x2  }
0xba: {  	s31 =	sshll.u32 s1, $0xD;
	s1 =	sshrl.u32 s1, $0x2  }
0xbb: {  	s3 =	sand.u32 $0x4000, s31;
	s1 =	sadd.s32 s1, s30  }
0xbc: {  	s0 =	sor.u32 s3, s0;
	s1 =	sshll.u32 s1, $0x11  }
0xbd: {  	s0 =	sor.u32 s1, s0  }
0xbe: {  	s0 =	sadd.s32 $0x8F2B, s0  }
0xbf: {  	[sflag:s0] =	ssyncadd.remote.s32 $0x1  }
0xc0: {  	_ =	sfence.sel $0xFFFF  }
0xc1: {  	[dreg:$0x0] =	wrdreg $0xFFFFFFFF;
	(pc) =	sbr.abs _section_cstart, $3  }
0xc2: {  	[dreg:$0x1] =	wrdreg $0xFFFFFFFF  }
0xc3: {  	_ =	task.clear_ibuf [dreg:s8], $0x2FFFF;
	_ =	strace $0x9FFFFFFF  }
0xc4: {  	(tm) =	ssettm $0x7FFFFFFF  }
0xc5: {  	_ =	shalt  }
tec
execute0_lowered:
.L_overlay_start_1:
0x0: {  	(tag) =	ssettag $0x1  }
0x1: {  	s0 =	srdreg.scid;
	s1 =	rddreg [dreg:$0x0]  }
0x2: {  	s3 =	stileid.u32;
	s2 =	rddreg [dreg:$0x1];
	s0 =	sand.u32 $0x1, s0  }
0x3: {  	s5 =	rddreg [dreg:$0x2];
	s3 =	sshll.u32 s3, $0xA;
	s4 =	sshll.u32 s0, $0x9  }
0x4: {  	s29 =	simm.s32 $0x200;
	s15 =	simm.s32 $0x2;
	s4 =	sor.u32 s4, s3  }
0x5: {  	s3 =	simm.s32 $0x0;
	s6 =	sshrl.u32 s4, $0x3;
	s4 =	sshll.u32 s4, $0x6  }
0x6: {  	[smem:$0x7FF] =	sst s3;
	s2 =	sadd.s32 s6, s2;
	s21 =	sadd.s32 s5, s4  }
0x7: {  	_ =	strace $0x80000047;
	s2 =	sadd.s32 $0x600, s2;
	[dreg:$0xc] =	wrdreg s21  }
0x8: {  	s16 =	simm.s32 $0x3;
	s22 =	sadd.s32 $0x1000, s21;
	[dreg:$0x4] =	wrdreg s2  }
0x9: {  	s17 =	simm.s32 $0x4;
	s23 =	sadd.s32 $0x2000, s21;
	[dreg:$0x5] =	wrdreg s22  }
0xa: {  	s0 =	ssub.s32 $0x2, s0;
	s24 =	sadd.s32 $0x3000, s21;
	[dreg:$0x6] =	wrdreg s23  }
0xb: {  	s26 =	sshrl.u32 s0, $0x1;
	s25 =	sadd.s32 $0x4000, s21;
	[dreg:$0x7] =	wrdreg s24  }
0xc: {  	s0 =	ssub.s32 s0, s26;
	s28 =	sadd.s32 $0x5000, s21;
	[dreg:$0x8] =	wrdreg s25  }
0xd: {  	v2 =	vlaneseq.u32;
	s5 =	sadd.s32 $0x100, s1;
	s30 =	sadd.s32 $0x6000, s21;
	[dreg:$0x9] =	wrdreg s28  }
0xe: {  	vm0 =	vmmov $0xffff;
	v1 =	vshrl.u32 v2, $0x3;
	s6 =	smax.u32 s0, $0x1;
	s31 =	sadd.s32 $0x7000, s21;
	[dreg:$0xa] =	wrdreg s30  }
0xf: {  	v0 =	vand.u32 $0x7, v2;
	v2 =	vor.u32 $0x8, v2;
	v1 =	vmul.u32 $0x8, v1;
	[dreg:$0xb] =	wrdreg s31;
	s24 =	simm.s32 $0x1;
	s25 =	simm.s32 $0x8200  }
.LBB2_1:
0x10: {  	s18 =	rddreg [dreg:$0x4];
	s9 =	simm.s32 $0x5  }
0x11: {  	[tilespmem:s3], [sflag:$0x5] =	stream.linear.gather [hbm4b:s18+s3], $0x200, $0x38;
	[tilespmem:$0x10200] =	vst v63  }
0x12: {  	_ =	swait.ge [sflag:s9], $0x200  }
0x13: {  	[sflag:s9] =	ssyncset.done $0x0  }
0x14: {  	[sflag:s9] =	ssyncadd.s32 $0xFFFFFE00  }
0x15: {  	v3 =	vld [tilespmem:$0x0];
	_ =	sdelay $0x4  }
0x16: {  	v4 =	vshll.u32 v3, $0x2  }
0x17: {  	v3 =	vand.u32 $0x7, v3;
	v4 =	vand.u32 $0xFFFFFFE0, v4  }
0x18: {  	v3 =	vor.u32 v3, v4  }
0x19: {  	v4 =	vperm.xlane v3, v0;
	_ =	sdelay $0x1  }
0x1a: {  	v4 =	vadd.s32 v1, v4;
	_ =	sdelay $0x1  }
0x1b: {  	v3 =	vperm.xlane v3, v2;
	_ =	sdelay $0x1  }
0x1c: {  	v3 =	vadd.s32 v1, v3  }
0x1d: {  	[tilespmem:s29], [sflag:$0x1] =	stream.indirect_vreg.gather [hbm4b:s1+s3], $0x80, v4, vm0, $0xb8;
	[tilespmem:$0x10200] =	vst v63  }
0x1e: {  	s0 =	simm.s32 $0xA00  }
0x1f: {  	[tilespmem:s0], [sflag:$0x1] =	stream.indirect_vreg.gather [hbm4b:s5+s3], $0x80, v4, vm0, $0xb8;
	[tilespmem:$0x10200] =	vst v63  }
0x20: {  	s10 =	simm.s32 $0x1200  }
0x21: {  	[tilespmem:s10], [sflag:$0x1] =	stream.indirect_vreg.gather [hbm4b:s1+s3], $0x80, v3, vm0, $0xb8;
	[tilespmem:$0x10200] =	vst v63  }
0x22: {  	s11 =	simm.s32 $0x1A00  }
0x23: {  	[tilespmem:s11], [sflag:$0x1] =	stream.indirect_vreg.gather [hbm4b:s5+s3], $0x80, v3, vm0, $0xb8;
	[tilespmem:$0x10200] =	vst v63  }
0x24: {  	v3 =	vld [tilespmem:$0x10];
	_ =	sdelay $0x4  }
0x25: {  	v33 =	vshll.u32 v3, $0x2  }
0x26: {  	v3 =	vand.u32 $0x7, v3;
	v4 =	vand.u32 $0xFFFFFFE0, v33  }
0x27: {  	v3 =	vor.u32 v3, v4  }
0x28: {  	v4 =	vperm.xlane v3, v0;
	_ =	sdelay $0x1  }
0x29: {  	v4 =	vadd.s32 v1, v4;
	_ =	sdelay $0x1  }
0x2a: {  	v3 =	vperm.xlane v3, v2;
	_ =	sdelay $0x1  }
0x2b: {  	s12 =	simm.s32 $0x2200;
	v3 =	vadd.s32 v1, v3  }
0x2c: {  	[tilespmem:s12], [sflag:$0x1] =	stream.indirect_vreg.gather [hbm4b:s1+s3], $0x80, v4, vm0, $0xb8;
	[tilespmem:$0x10200] =	vst v63  }
0x2d: {  	s13 =	simm.s32 $0x2A00  }
0x2e: {  	[tilespmem:s13], [sflag:$0x1] =	stream.indirect_vreg.gather [hbm4b:s5+s3], $0x80, v4, vm0, $0xb8;
	[tilespmem:$0x10200] =	vst v63  }
0x2f: {  	s14 =	simm.s32 $0x3200  }
0x30: {  	[tilespmem:s14], [sflag:$0x1] =	stream.indirect_vreg.gather [hbm4b:s1+s3], $0x80, v3, vm0, $0xb8;
	[tilespmem:$0x10200] =	vst v63  }
0x31: {  	s18 =	simm.s32 $0x3A00  }
0x32: {  	[tilespmem:s18], [sflag:$0x1] =	stream.indirect_vreg.gather [hbm4b:s5+s3], $0x80, v3, vm0, $0xb8;
	[tilespmem:$0x10200] =	vst v63  }
0x33: {  	v3 =	vld [tilespmem:$0x20];
	_ =	sdelay $0x4  }
0x34: {  	v34 =	vshll.u32 v3, $0x2  }
0x35: {  	v3 =	vand.u32 $0x7, v3;
	v4 =	vand.u32 $0xFFFFFFE0, v34  }
0x36: {  	v3 =	vor.u32 v3, v4  }
0x37: {  	v4 =	vperm.xlane v3, v0;
	_ =	sdelay $0x1  }
0x38: {  	v4 =	vadd.s32 v1, v4;
	_ =	sdelay $0x1  }
0x39: {  	v3 =	vperm.xlane v3, v2;
	_ =	sdelay $0x1  }
0x3a: {  	s20 =	simm.s32 $0x4200;
	v3 =	vadd.s32 v1, v3  }
0x3b: {  	[tilespmem:s20], [sflag:$0x1] =	stream.indirect_vreg.gather [hbm4b:s1+s3], $0x80, v4, vm0, $0xb8;
	[tilespmem:$0x10200] =	vst v63  }
0x3c: {  	s21 =	simm.s32 $0x4A00  }
0x3d: {  	[tilespmem:s21], [sflag:$0x1] =	stream.indirect_vreg.gather [hbm4b:s5+s3], $0x80, v4, vm0, $0xb8;
	[tilespmem:$0x10200] =	vst v63  }
0x3e: {  	s22 =	simm.s32 $0x5200  }
0x3f: {  	[tilespmem:s22], [sflag:$0x1] =	stream.indirect_vreg.gather [hbm4b:s1+s3], $0x80, v3, vm0, $0xb8;
	[tilespmem:$0x10200] =	vst v63  }
0x40: {  	s23 =	simm.s32 $0x5A00  }
0x41: {  	[tilespmem:s23], [sflag:$0x1] =	stream.indirect_vreg.gather [hbm4b:s5+s3], $0x80, v3, vm0, $0xb8;
	[tilespmem:$0x10200] =	vst v63  }
0x42: {  	v3 =	vld [tilespmem:$0x30];
	_ =	sdelay $0x4  }
0x43: {  	v35 =	vshll.u32 v3, $0x2  }
0x44: {  	v3 =	vand.u32 $0x7, v3;
	v4 =	vand.u32 $0xFFFFFFE0, v35  }
0x45: {  	v3 =	vor.u32 v3, v4  }
0x46: {  	v4 =	vperm.xlane v3, v0;
	_ =	sdelay $0x1  }
0x47: {  	v4 =	vadd.s32 v1, v4;
	_ =	sdelay $0x1  }
0x48: {  	v3 =	vperm.xlane v3, v2;
	_ =	sdelay $0x1  }
0x49: {  	s26 =	simm.s32 $0x6200;
	v3 =	vadd.s32 v1, v3  }
0x4a: {  	[tilespmem:s26], [sflag:$0x1] =	stream.indirect_vreg.gather [hbm4b:s1+s3], $0x80, v4, vm0, $0xb8;
	[tilespmem:$0x10200] =	vst v63  }
0x4b: {  	s28 =	simm.s32 $0x6A00  }
0x4c: {  	[tilespmem:s28], [sflag:$0x1] =	stream.indirect_vreg.gather [hbm4b:s5+s3], $0x80, v4, vm0, $0xb8;
	[tilespmem:$0x10200] =	vst v63  }
0x4d: {  	s30 =	simm.s32 $0x7200  }
0x4e: {  	[tilespmem:s30], [sflag:$0x1] =	stream.indirect_vreg.gather [hbm4b:s1+s3], $0x80, v3, vm0, $0xb8;
	[tilespmem:$0x10200] =	vst v63  }
0x4f: {  	s31 =	simm.s32 $0x7A00  }
0x50: {  	[tilespmem:s31], [sflag:$0x1] =	stream.indirect_vreg.gather [hbm4b:s5+s3], $0x80, v3, vm0, $0xb8;
	[tilespmem:$0x10200] =	vst v63  }
0x51: {  	_ =	swait.ge [sflag:s24], $0x8000  }
0x52: {  	[sflag:s24] =	ssyncset.done $0x0  }
0x53: {  	[sflag:s24] =	ssyncadd.s32 $0xFFFF8000  }
0x54: {  	v3 =	vld [tilespmem:$0x40];
	_ =	sdelay $0x4  }
0x55: {  	v36 =	vshll.u32 v3, $0x2  }
0x56: {  	v3 =	vand.u32 $0x7, v3;
	v4 =	vand.u32 $0xFFFFFFE0, v36  }
0x57: {  	v3 =	vor.u32 v3, v4  }
0x58: {  	v4 =	vperm.xlane v3, v0;
	_ =	sdelay $0x1  }
0x59: {  	v4 =	vadd.s32 v1, v4;
	_ =	sdelay $0x1  }
0x5a: {  	v3 =	vperm.xlane v3, v2;
	_ =	sdelay $0x1  }
0x5b: {  	v3 =	vadd.s32 v1, v3  }
0x5c: {  	[tilespmem:s25], [sflag:$0x2] =	stream.indirect_vreg.gather [hbm4b:s1+s3], $0x80, v4, vm0, $0xb8;
	[tilespmem:$0x10200] =	vst v63  }
0x5d: {  	s2 =	simm.s32 $0x8A00  }
0x5e: {  	[tilespmem:s2], [sflag:$0x2] =	stream.indirect_vreg.gather [hbm4b:s5+s3], $0x80, v4, vm0, $0xb8;
	[tilespmem:$0x10200] =	vst v63  }
0x5f: {  	s4 =	simm.s32 $0x9200  }
0x60: {  	[tilespmem:s4], [sflag:$0x2] =	stream.indirect_vreg.gather [hbm4b:s1+s3], $0x80, v3, vm0, $0xb8;
	[tilespmem:$0x10200] =	vst v63  }
0x61: {  	s7 =	simm.s32 $0x9A00  }
0x62: {  	[tilespmem:s7], [sflag:$0x2] =	stream.indirect_vreg.gather [hbm4b:s5+s3], $0x80, v3, vm0, $0xb8;
	[tilespmem:$0x10200] =	vst v63  }
0x63: {  	v3 =	vld [tilespmem:$0x50];
	_ =	sdelay $0x4  }
0x64: {  	v37 =	vshll.u32 v3, $0x2  }
0x65: {  	v3 =	vand.u32 $0x7, v3;
	v4 =	vand.u32 $0xFFFFFFE0, v37  }
0x66: {  	v3 =	vor.u32 v3, v4  }
0x67: {  	v4 =	vperm.xlane v3, v0;
	_ =	sdelay $0x1  }
0x68: {  	v4 =	vadd.s32 v1, v4;
	_ =	sdelay $0x1  }
0x69: {  	v3 =	vperm.xlane v3, v2;
	_ =	sdelay $0x1  }
0x6a: {  	s8 =	simm.s32 $0xA200;
	v3 =	vadd.s32 v1, v3  }
0x6b: {  	[tilespmem:s8], [sflag:$0x2] =	stream.indirect_vreg.gather [hbm4b:s1+s3], $0x80, v4, vm0, $0xb8;
	[tilespmem:$0x10200] =	vst v63  }
0x6c: {  	s9 =	simm.s32 $0xAA00  }
0x6d: {  	[tilespmem:s9], [sflag:$0x2] =	stream.indirect_vreg.gather [hbm4b:s5+s3], $0x80, v4, vm0, $0xb8;
	[tilespmem:$0x10200] =	vst v63  }
0x6e: {  	s12 =	simm.s32 $0xB200  }
0x6f: {  	[tilespmem:s12], [sflag:$0x2] =	stream.indirect_vreg.gather [hbm4b:s1+s3], $0x80, v3, vm0, $0xb8;
	[tilespmem:$0x10200] =	vst v63  }
0x70: {  	s13 =	simm.s32 $0xBA00  }
0x71: {  	[tilespmem:s13], [sflag:$0x2] =	stream.indirect_vreg.gather [hbm4b:s5+s3], $0x80, v3, vm0, $0xb8;
	[tilespmem:$0x10200] =	vst v63  }
0x72: {  	v3 =	vld [tilespmem:$0x60];
	_ =	sdelay $0x4  }
0x73: {  	v38 =	vshll.u32 v3, $0x2  }
0x74: {  	v3 =	vand.u32 $0x7, v3;
	v4 =	vand.u32 $0xFFFFFFE0, v38  }
0x75: {  	v3 =	vor.u32 v3, v4  }
0x76: {  	v4 =	vperm.xlane v3, v0;
	_ =	sdelay $0x1  }
0x77: {  	v4 =	vadd.s32 v1, v4;
	_ =	sdelay $0x1  }
0x78: {  	v3 =	vperm.xlane v3, v2;
	_ =	sdelay $0x1  }
0x79: {  	s18 =	simm.s32 $0xC200;
	v3 =	vadd.s32 v1, v3  }
0x7a: {  	[tilespmem:s18], [sflag:$0x2] =	stream.indirect_vreg.gather [hbm4b:s1+s3], $0x80, v4, vm0, $0xb8;
	[tilespmem:$0x10200] =	vst v63  }
0x7b: {  	s20 =	simm.s32 $0xCA00  }
0x7c: {  	[tilespmem:s20], [sflag:$0x2] =	stream.indirect_vreg.gather [hbm4b:s5+s3], $0x80, v4, vm0, $0xb8;
	[tilespmem:$0x10200] =	vst v63  }
0x7d: {  	s21 =	simm.s32 $0xD200  }
0x7e: {  	[tilespmem:s21], [sflag:$0x2] =	stream.indirect_vreg.gather [hbm4b:s1+s3], $0x80, v3, vm0, $0xb8;
	[tilespmem:$0x10200] =	vst v63  }
0x7f: {  	s22 =	simm.s32 $0xDA00  }
0x80: {  	[tilespmem:s22], [sflag:$0x2] =	stream.indirect_vreg.gather [hbm4b:s5+s3], $0x80, v3, vm0, $0xb8;
	[tilespmem:$0x10200] =	vst v63  }
0x81: {  	v3 =	vld [tilespmem:$0x70];
	_ =	sdelay $0x4  }
0x82: {  	v39 =	vshll.u32 v3, $0x2  }
0x83: {  	v3 =	vand.u32 $0x7, v3;
	v4 =	vand.u32 $0xFFFFFFE0, v39  }
0x84: {  	v3 =	vor.u32 v3, v4  }
0x85: {  	v4 =	vperm.xlane v3, v0;
	_ =	sdelay $0x1  }
0x86: {  	v4 =	vadd.s32 v1, v4;
	_ =	sdelay $0x1  }
0x87: {  	v3 =	vperm.xlane v3, v2;
	_ =	sdelay $0x1  }
0x88: {  	s23 =	simm.s32 $0xE200;
	v3 =	vadd.s32 v1, v3  }
0x89: {  	[tilespmem:s23], [sflag:$0x2] =	stream.indirect_vreg.gather [hbm4b:s1+s3], $0x80, v4, vm0, $0xb8;
	[tilespmem:$0x10200] =	vst v63  }
0x8a: {  	s26 =	simm.s32 $0xEA00  }
0x8b: {  	[tilespmem:s26], [sflag:$0x2] =	stream.indirect_vreg.gather [hbm4b:s5+s3], $0x80, v4, vm0, $0xb8;
	[tilespmem:$0x10200] =	vst v63  }
0x8c: {  	s28 =	simm.s32 $0xF200  }
0x8d: {  	[tilespmem:s28], [sflag:$0x2] =	stream.indirect_vreg.gather [hbm4b:s1+s3], $0x80, v3, vm0, $0xb8;
	[tilespmem:$0x10200] =	vst v63  }
0x8e: {  	s30 =	simm.s32 $0xFA00  }
0x8f: {  	[tilespmem:s30], [sflag:$0x2] =	stream.indirect_vreg.gather [hbm4b:s5+s3], $0x80, v3, vm0, $0xb8;
	[tilespmem:$0x10200] =	vst v63  }
0x90: {  	s31 =	rddreg [dreg:$0xc]  }
0x91: {  	[hbm4b:s31+s3] =	stream.linear.scatter [tilespmem:s29], [sflag:$0x3], $0x8000, $0x38;
	[tilespmem:$0x10200] =	vst v63  }
0x92: {  	_ =	swait.ge [sflag:s15], $0x8000  }
0x93: {  	[sflag:s15] =	ssyncset.done $0x0  }
0x94: {  	[sflag:s15] =	ssyncadd.s32 $0xFFFF8000  }
0x95: {  	_ =	swait.ge [sflag:s16], $0x8000  }
0x96: {  	[sflag:s16] =	ssyncset.done $0x0  }
0x97: {  	[sflag:s16] =	ssyncadd.s32 $0xFFFF8000  }
0x98: {  	v3 =	vld [tilespmem:$0x80];
	_ =	sdelay $0x4  }
0x99: {  	v40 =	vshll.u32 v3, $0x2  }
0x9a: {  	v3 =	vand.u32 $0x7, v3;
	v4 =	vand.u32 $0xFFFFFFE0, v40  }
0x9b: {  	v3 =	vor.u32 v3, v4  }
0x9c: {  	v4 =	vperm.xlane v3, v0;
	_ =	sdelay $0x1  }
0x9d: {  	v4 =	vadd.s32 v1, v4;
	_ =	sdelay $0x1  }
0x9e: {  	v3 =	vperm.xlane v3, v2;
	_ =	sdelay $0x1  }
0x9f: {  	v3 =	vadd.s32 v1, v3  }
0xa0: {  	[tilespmem:s29], [sflag:$0x1] =	stream.indirect_vreg.gather [hbm4b:s1+s3], $0x80, v4, vm0, $0xb8;
	[tilespmem:$0x10200] =	vst v63  }
0xa1: {  	s12 =	simm.s32 $0xA00  }
0xa2: {  	[tilespmem:s12], [sflag:$0x1] =	stream.indirect_vreg.gather [hbm4b:s5+s3], $0x80, v4, vm0, $0xb8;
	[tilespmem:$0x10200] =	vst v63  }
0xa3: {  	s13 =	simm.s32 $0x1200  }
0xa4: {  	[tilespmem:s13], [sflag:$0x1] =	stream.indirect_vreg.gather [hbm4b:s1+s3], $0x80, v3, vm0, $0xb8;
	[tilespmem:$0x10200] =	vst v63  }
0xa5: {  	s20 =	simm.s32 $0x1A00  }
0xa6: {  	[tilespmem:s20], [sflag:$0x1] =	stream.indirect_vreg.gather [hbm4b:s5+s3], $0x80, v3, vm0, $0xb8;
	[tilespmem:$0x10200] =	vst v63  }
0xa7: {  	v3 =	vld [tilespmem:$0x90];
	_ =	sdelay $0x4  }
0xa8: {  	v41 =	vshll.u32 v3, $0x2  }
0xa9: {  	v3 =	vand.u32 $0x7, v3;
	v4 =	vand.u32 $0xFFFFFFE0, v41  }
0xaa: {  	v3 =	vor.u32 v3, v4  }
0xab: {  	v4 =	vperm.xlane v3, v0;
	_ =	sdelay $0x1  }
0xac: {  	v4 =	vadd.s32 v1, v4;
	_ =	sdelay $0x1  }
0xad: {  	v3 =	vperm.xlane v3, v2;
	_ =	sdelay $0x1  }
0xae: {  	s19 =	simm.s32 $0x2200;
	v3 =	vadd.s32 v1, v3  }
0xaf: {  	[tilespmem:s19], [sflag:$0x1] =	stream.indirect_vreg.gather [hbm4b:s1+s3], $0x80, v4, vm0, $0xb8;
	[tilespmem:$0x10200] =	vst v63  }
0xb0: {  	s22 =	simm.s32 $0x2A00  }
0xb1: {  	[tilespmem:s22], [sflag:$0x1] =	stream.indirect_vreg.gather [hbm4b:s5+s3], $0x80, v4, vm0, $0xb8;
	[tilespmem:$0x10200] =	vst v63  }
0xb2: {  	s21 =	simm.s32 $0x3200  }
0xb3: {  	[tilespmem:s21], [sflag:$0x1] =	stream.indirect_vreg.gather [hbm4b:s1+s3], $0x80, v3, vm0, $0xb8;
	[tilespmem:$0x10200] =	vst v63  }
0xb4: {  	s23 =	simm.s32 $0x3A00  }
0xb5: {  	[tilespmem:s23], [sflag:$0x1] =	stream.indirect_vreg.gather [hbm4b:s5+s3], $0x80, v3, vm0, $0xb8;
	[tilespmem:$0x10200] =	vst v63  }
0xb6: {  	v3 =	vld [tilespmem:$0xA0];
	_ =	sdelay $0x4  }
0xb7: {  	v42 =	vshll.u32 v3, $0x2  }
0xb8: {  	v3 =	vand.u32 $0x7, v3;
	v4 =	vand.u32 $0xFFFFFFE0, v42  }
0xb9: {  	v3 =	vor.u32 v3, v4  }
0xba: {  	v4 =	vperm.xlane v3, v0;
	_ =	sdelay $0x1  }
0xbb: {  	v4 =	vadd.s32 v1, v4;
	_ =	sdelay $0x1  }
0xbc: {  	v3 =	vperm.xlane v3, v2;
	_ =	sdelay $0x1  }
0xbd: {  	s26 =	simm.s32 $0x4200;
	v3 =	vadd.s32 v1, v3  }
0xbe: {  	[tilespmem:s26], [sflag:$0x1] =	stream.indirect_vreg.gather [hbm4b:s1+s3], $0x80, v4, vm0, $0xb8;
	[tilespmem:$0x10200] =	vst v63  }
0xbf: {  	s30 =	simm.s32 $0x4A00  }
0xc0: {  	[tilespmem:s30], [sflag:$0x1] =	stream.indirect_vreg.gather [hbm4b:s5+s3], $0x80, v4, vm0, $0xb8;
	[tilespmem:$0x10200] =	vst v63  }
0xc1: {  	s31 =	simm.s32 $0x5200  }
0xc2: {  	[tilespmem:s31], [sflag:$0x1] =	stream.indirect_vreg.gather [hbm4b:s1+s3], $0x80, v3, vm0, $0xb8;
	[tilespmem:$0x10200] =	vst v63  }
0xc3: {  	s19 =	simm.s32 $0x5A00  }
0xc4: {  	[tilespmem:s19], [sflag:$0x1] =	stream.indirect_vreg.gather [hbm4b:s5+s3], $0x80, v3, vm0, $0xb8;
	[tilespmem:$0x10200] =	vst v63  }
0xc5: {  	v3 =	vld [tilespmem:$0xB0];
	_ =	sdelay $0x4  }
0xc6: {  	v43 =	vshll.u32 v3, $0x2  }
0xc7: {  	v3 =	vand.u32 $0x7, v3;
	v4 =	vand.u32 $0xFFFFFFE0, v43  }
0xc8: {  	v3 =	vor.u32 v3, v4  }
0xc9: {  	v4 =	vperm.xlane v3, v0;
	_ =	sdelay $0x1  }
0xca: {  	v4 =	vadd.s32 v1, v4;
	_ =	sdelay $0x1  }
0xcb: {  	v3 =	vperm.xlane v3, v2;
	_ =	sdelay $0x1  }
0xcc: {  	s14 =	simm.s32 $0x6200;
	v3 =	vadd.s32 v1, v3  }
0xcd: {  	[tilespmem:s14], [sflag:$0x1] =	stream.indirect_vreg.gather [hbm4b:s1+s3], $0x80, v4, vm0, $0xb8;
	[tilespmem:$0x10200] =	vst v63  }
0xce: {  	s11 =	simm.s32 $0x6A00  }
0xcf: {  	[tilespmem:s11], [sflag:$0x1] =	stream.indirect_vreg.gather [hbm4b:s5+s3], $0x80, v4, vm0, $0xb8;
	[tilespmem:$0x10200] =	vst v63  }
0xd0: {  	s14 =	simm.s32 $0x7200  }
0xd1: {  	[tilespmem:s14], [sflag:$0x1] =	stream.indirect_vreg.gather [hbm4b:s1+s3], $0x80, v3, vm0, $0xb8;
	[tilespmem:$0x10200] =	vst v63  }
0xd2: {  	s11 =	simm.s32 $0x7A00  }
0xd3: {  	[tilespmem:s11], [sflag:$0x1] =	stream.indirect_vreg.gather [hbm4b:s5+s3], $0x80, v3, vm0, $0xb8;
	[tilespmem:$0x10200] =	vst v63  }
0xd4: {  	s0 =	rddreg [dreg:$0x5]  }
0xd5: {  	[hbm4b:s0+s3] =	stream.linear.scatter [tilespmem:s25], [sflag:$0x4], $0x8000, $0x38;
	[tilespmem:$0x10200] =	vst v63  }
0xd6: {  	_ =	swait.ge [sflag:s24], $0x8000  }
0xd7: {  	[sflag:s24] =	ssyncset.done $0x0  }
0xd8: {  	[sflag:s24] =	ssyncadd.s32 $0xFFFF8000  }
0xd9: {  	_ =	swait.ge [sflag:s17], $0x8000  }
0xda: {  	[sflag:s17] =	ssyncset.done $0x0  }
0xdb: {  	[sflag:s17] =	ssyncadd.s32 $0xFFFF8000  }
0xdc: {  	v3 =	vld [tilespmem:$0xC0];
	_ =	sdelay $0x4  }
0xdd: {  	v44 =	vshll.u32 v3, $0x2  }
0xde: {  	v3 =	vand.u32 $0x7, v3;
	v4 =	vand.u32 $0xFFFFFFE0, v44  }
0xdf: {  	v3 =	vor.u32 v3, v4  }
0xe0: {  	v4 =	vperm.xlane v3, v0;
	_ =	sdelay $0x1  }
0xe1: {  	v4 =	vadd.s32 v1, v4;
	_ =	sdelay $0x1  }
0xe2: {  	v3 =	vperm.xlane v3, v2;
	_ =	sdelay $0x1  }
0xe3: {  	v3 =	vadd.s32 v1, v3  }
0xe4: {  	[tilespmem:s25], [sflag:$0x2] =	stream.indirect_vreg.gather [hbm4b:s1+s3], $0x80, v4, vm0, $0xb8;
	[tilespmem:$0x10200] =	vst v63  }
0xe5: {  	s0 =	simm.s32 $0x8A00  }
0xe6: {  	[tilespmem:s0], [sflag:$0x2] =	stream.indirect_vreg.gather [hbm4b:s5+s3], $0x80, v4, vm0, $0xb8;
	[tilespmem:$0x10200] =	vst v63  }
0xe7: {  	s2 =	simm.s32 $0x9200  }
0xe8: {  	[tilespmem:s2], [sflag:$0x2] =	stream.indirect_vreg.gather [hbm4b:s1+s3], $0x80, v3, vm0, $0xb8;
	[tilespmem:$0x10200] =	vst v63  }
0xe9: {  	s10 =	simm.s32 $0x9A00  }
0xea: {  	[tilespmem:s10], [sflag:$0x2] =	stream.indirect_vreg.gather [hbm4b:s5+s3], $0x80, v3, vm0, $0xb8;
	[tilespmem:$0x10200] =	vst v63  }
0xeb: {  	v3 =	vld [tilespmem:$0xD0];
	_ =	sdelay $0x4  }
0xec: {  	v45 =	vshll.u32 v3, $0x2  }
0xed: {  	v3 =	vand.u32 $0x7, v3;
	v4 =	vand.u32 $0xFFFFFFE0, v45  }
0xee: {  	v3 =	vor.u32 v3, v4  }
0xef: {  	v4 =	vperm.xlane v3, v0;
	_ =	sdelay $0x1  }
0xf0: {  	v4 =	vadd.s32 v1, v4;
	_ =	sdelay $0x1  }
0xf1: {  	v3 =	vperm.xlane v3, v2;
	_ =	sdelay $0x1  }
0xf2: {  	s4 =	simm.s32 $0xA200;
	v3 =	vadd.s32 v1, v3  }
0xf3: {  	[tilespmem:s4], [sflag:$0x2] =	stream.indirect_vreg.gather [hbm4b:s1+s3], $0x80, v4, vm0, $0xb8;
	[tilespmem:$0x10200] =	vst v63  }
0xf4: {  	s7 =	simm.s32 $0xAA00  }
0xf5: {  	[tilespmem:s7], [sflag:$0x2] =	stream.indirect_vreg.gather [hbm4b:s5+s3], $0x80, v4, vm0, $0xb8;
	[tilespmem:$0x10200] =	vst v63  }
0xf6: {  	s2 =	simm.s32 $0xB200  }
0xf7: {  	[tilespmem:s2], [sflag:$0x2] =	stream.indirect_vreg.gather [hbm4b:s1+s3], $0x80, v3, vm0, $0xb8;
	[tilespmem:$0x10200] =	vst v63  }
0xf8: {  	s8 =	simm.s32 $0xBA00  }
0xf9: {  	[tilespmem:s8], [sflag:$0x2] =	stream.indirect_vreg.gather [hbm4b:s5+s3], $0x80, v3, vm0, $0xb8;
	[tilespmem:$0x10200] =	vst v63  }
0xfa: {  	v3 =	vld [tilespmem:$0xE0];
	_ =	sdelay $0x4  }
0xfb: {  	v46 =	vshll.u32 v3, $0x2  }
0xfc: {  	v3 =	vand.u32 $0x7, v3;
	v4 =	vand.u32 $0xFFFFFFE0, v46  }
0xfd: {  	v3 =	vor.u32 v3, v4  }
0xfe: {  	v4 =	vperm.xlane v3, v0;
	_ =	sdelay $0x1  }
0xff: {  	v4 =	vadd.s32 v1, v4;
	_ =	sdelay $0x1  }
0x100: {  	v3 =	vperm.xlane v3, v2;
	_ =	sdelay $0x1  }
0x101: {  	s4 =	simm.s32 $0xC200;
	v3 =	vadd.s32 v1, v3  }
0x102: {  	[tilespmem:s4], [sflag:$0x2] =	stream.indirect_vreg.gather [hbm4b:s1+s3], $0x80, v4, vm0, $0xb8;
	[tilespmem:$0x10200] =	vst v63  }
0x103: {  	s7 =	simm.s32 $0xCA00  }
0x104: {  	[tilespmem:s7], [sflag:$0x2] =	stream.indirect_vreg.gather [hbm4b:s5+s3], $0x80, v4, vm0, $0xb8;
	[tilespmem:$0x10200] =	vst v63  }
0x105: {  	s8 =	simm.s32 $0xD200  }
0x106: {  	[tilespmem:s8], [sflag:$0x2] =	stream.indirect_vreg.gather [hbm4b:s1+s3], $0x80, v3, vm0, $0xb8;
	[tilespmem:$0x10200] =	vst v63  }
0x107: {  	s9 =	simm.s32 $0xDA00  }
0x108: {  	[tilespmem:s9], [sflag:$0x2] =	stream.indirect_vreg.gather [hbm4b:s5+s3], $0x80, v3, vm0, $0xb8;
	[tilespmem:$0x10200] =	vst v63  }
0x109: {  	v3 =	vld [tilespmem:$0xF0];
	_ =	sdelay $0x4  }
0x10a: {  	v47 =	vshll.u32 v3, $0x2  }
0x10b: {  	v3 =	vand.u32 $0x7, v3;
	v4 =	vand.u32 $0xFFFFFFE0, v47  }
0x10c: {  	v3 =	vor.u32 v3, v4  }
0x10d: {  	v4 =	vperm.xlane v3, v0;
	_ =	sdelay $0x1  }
0x10e: {  	v4 =	vadd.s32 v1, v4;
	_ =	sdelay $0x1  }
0x10f: {  	v3 =	vperm.xlane v3, v2;
	_ =	sdelay $0x1  }
0x110: {  	s9 =	simm.s32 $0xE200;
	v3 =	vadd.s32 v1, v3  }
0x111: {  	[tilespmem:s9], [sflag:$0x2] =	stream.indirect_vreg.gather [hbm4b:s1+s3], $0x80, v4, vm0, $0xb8;
	[tilespmem:$0x10200] =	vst v63  }
0x112: {  	s10 =	simm.s32 $0xEA00  }
0x113: {  	[tilespmem:s10], [sflag:$0x2] =	stream.indirect_vreg.gather [hbm4b:s5+s3], $0x80, v4, vm0, $0xb8;
	[tilespmem:$0x10200] =	vst v63  }
0x114: {  	s28 =	simm.s32 $0xF200  }
0x115: {  	[tilespmem:s28], [sflag:$0x2] =	stream.indirect_vreg.gather [hbm4b:s1+s3], $0x80, v3, vm0, $0xb8;
	[tilespmem:$0x10200] =	vst v63  }
0x116: {  	s28 =	simm.s32 $0xFA00  }
0x117: {  	[tilespmem:s28], [sflag:$0x2] =	stream.indirect_vreg.gather [hbm4b:s5+s3], $0x80, v3, vm0, $0xb8;
	[tilespmem:$0x10200] =	vst v63  }
0x118: {  	s18 =	rddreg [dreg:$0x6]  }
0x119: {  	[hbm4b:s18+s3] =	stream.linear.scatter [tilespmem:s29], [sflag:$0x3], $0x8000, $0x38;
	[tilespmem:$0x10200] =	vst v63  }
0x11a: {  	_ =	swait.ge [sflag:s15], $0x8000  }
0x11b: {  	[sflag:s15] =	ssyncset.done $0x0  }
0x11c: {  	[sflag:s15] =	ssyncadd.s32 $0xFFFF8000  }
0x11d: {  	_ =	swait.ge [sflag:s16], $0x8000  }
0x11e: {  	[sflag:s16] =	ssyncset.done $0x0  }
0x11f: {  	[sflag:s16] =	ssyncadd.s32 $0xFFFF8000  }
0x120: {  	v3 =	vld [tilespmem:$0x100];
	_ =	sdelay $0x4  }
0x121: {  	v48 =	vshll.u32 v3, $0x2  }
0x122: {  	v3 =	vand.u32 $0x7, v3;
	v4 =	vand.u32 $0xFFFFFFE0, v48  }
0x123: {  	v3 =	vor.u32 v3, v4  }
0x124: {  	v4 =	vperm.xlane v3, v0;
	_ =	sdelay $0x1  }
0x125: {  	v4 =	vadd.s32 v1, v4;
	_ =	sdelay $0x1  }
0x126: {  	v3 =	vperm.xlane v3, v2;
	_ =	sdelay $0x1  }
0x127: {  	v3 =	vadd.s32 v1, v3  }
0x128: {  	[tilespmem:s29], [sflag:$0x1] =	stream.indirect_vreg.gather [hbm4b:s1+s3], $0x80, v4, vm0, $0xb8;
	[tilespmem:$0x10200] =	vst v63  }
0x129: {  	_ = 	snop  }
0x12a: {  	[tilespmem:s12], [sflag:$0x1] =	stream.indirect_vreg.gather [hbm4b:s5+s3], $0x80, v4, vm0, $0xb8;
	[tilespmem:$0x10200] =	vst v63  }
0x12b: {  	_ = 	snop  }
0x12c: {  	[tilespmem:s13], [sflag:$0x1] =	stream.indirect_vreg.gather [hbm4b:s1+s3], $0x80, v3, vm0, $0xb8;
	[tilespmem:$0x10200] =	vst v63  }
0x12d: {  	_ = 	snop  }
0x12e: {  	[tilespmem:s20], [sflag:$0x1] =	stream.indirect_vreg.gather [hbm4b:s5+s3], $0x80, v3, vm0, $0xb8;
	[tilespmem:$0x10200] =	vst v63  }
0x12f: {  	v3 =	vld [tilespmem:$0x110];
	_ =	sdelay $0x4  }
0x130: {  	v49 =	vshll.u32 v3, $0x2  }
0x131: {  	v3 =	vand.u32 $0x7, v3;
	v4 =	vand.u32 $0xFFFFFFE0, v49  }
0x132: {  	v3 =	vor.u32 v3, v4  }
0x133: {  	v4 =	vperm.xlane v3, v0;
	_ =	sdelay $0x1  }
0x134: {  	v4 =	vadd.s32 v1, v4;
	_ =	sdelay $0x1  }
0x135: {  	v3 =	vperm.xlane v3, v2;
	_ =	sdelay $0x1  }
0x136: {  	s18 =	simm.s32 $0x2200;
	v3 =	vadd.s32 v1, v3  }
0x137: {  	[tilespmem:s18], [sflag:$0x1] =	stream.indirect_vreg.gather [hbm4b:s1+s3], $0x80, v4, vm0, $0xb8;
	[tilespmem:$0x10200] =	vst v63  }
0x138: {  	_ = 	snop  }
0x139: {  	[tilespmem:s22], [sflag:$0x1] =	stream.indirect_vreg.gather [hbm4b:s5+s3], $0x80, v4, vm0, $0xb8;
	[tilespmem:$0x10200] =	vst v63  }
0x13a: {  	_ = 	snop  }
0x13b: {  	[tilespmem:s21], [sflag:$0x1] =	stream.indirect_vreg.gather [hbm4b:s1+s3], $0x80, v3, vm0, $0xb8;
	[tilespmem:$0x10200] =	vst v63  }
0x13c: {  	_ = 	snop  }
0x13d: {  	[tilespmem:s23], [sflag:$0x1] =	stream.indirect_vreg.gather [hbm4b:s5+s3], $0x80, v3, vm0, $0xb8;
	[tilespmem:$0x10200] =	vst v63  }
0x13e: {  	v3 =	vld [tilespmem:$0x120];
	_ =	sdelay $0x4  }
0x13f: {  	v50 =	vshll.u32 v3, $0x2  }
0x140: {  	v3 =	vand.u32 $0x7, v3;
	v4 =	vand.u32 $0xFFFFFFE0, v50  }
0x141: {  	v3 =	vor.u32 v3, v4  }
0x142: {  	v4 =	vperm.xlane v3, v0;
	_ =	sdelay $0x1  }
0x143: {  	v4 =	vadd.s32 v1, v4;
	_ =	sdelay $0x1  }
0x144: {  	v3 =	vperm.xlane v3, v2;
	_ =	sdelay $0x1  }
0x145: {  	v3 =	vadd.s32 v1, v3  }
0x146: {  	[tilespmem:s26], [sflag:$0x1] =	stream.indirect_vreg.gather [hbm4b:s1+s3], $0x80, v4, vm0, $0xb8;
	[tilespmem:$0x10200] =	vst v63  }
0x147: {  	_ = 	snop  }
0x148: {  	[tilespmem:s30], [sflag:$0x1] =	stream.indirect_vreg.gather [hbm4b:s5+s3], $0x80, v4, vm0, $0xb8;
	[tilespmem:$0x10200] =	vst v63  }
0x149: {  	_ = 	snop  }
0x14a: {  	[tilespmem:s31], [sflag:$0x1] =	stream.indirect_vreg.gather [hbm4b:s1+s3], $0x80, v3, vm0, $0xb8;
	[tilespmem:$0x10200] =	vst v63  }
0x14b: {  	_ = 	snop  }
0x14c: {  	[tilespmem:s19], [sflag:$0x1] =	stream.indirect_vreg.gather [hbm4b:s5+s3], $0x80, v3, vm0, $0xb8;
	[tilespmem:$0x10200] =	vst v63  }
0x14d: {  	v3 =	vld [tilespmem:$0x130];
	_ =	sdelay $0x4  }
0x14e: {  	v51 =	vshll.u32 v3, $0x2  }
0x14f: {  	v3 =	vand.u32 $0x7, v3;
	v4 =	vand.u32 $0xFFFFFFE0, v51  }
0x150: {  	v3 =	vor.u32 v3, v4  }
0x151: {  	v4 =	vperm.xlane v3, v0;
	_ =	sdelay $0x1  }
0x152: {  	v4 =	vadd.s32 v1, v4;
	_ =	sdelay $0x1  }
0x153: {  	v3 =	vperm.xlane v3, v2;
	_ =	sdelay $0x1  }
0x154: {  	s18 =	simm.s32 $0x6200;
	v3 =	vadd.s32 v1, v3  }
0x155: {  	[tilespmem:s18], [sflag:$0x1] =	stream.indirect_vreg.gather [hbm4b:s1+s3], $0x80, v4, vm0, $0xb8;
	[tilespmem:$0x10200] =	vst v63  }
0x156: {  	s18 =	simm.s32 $0x6A00  }
0x157: {  	[tilespmem:s18], [sflag:$0x1] =	stream.indirect_vreg.gather [hbm4b:s5+s3], $0x80, v4, vm0, $0xb8;
	[tilespmem:$0x10200] =	vst v63  }
0x158: {  	_ = 	snop  }
0x159: {  	[tilespmem:s14], [sflag:$0x1] =	stream.indirect_vreg.gather [hbm4b:s1+s3], $0x80, v3, vm0, $0xb8;
	[tilespmem:$0x10200] =	vst v63  }
0x15a: {  	_ = 	snop  }
0x15b: {  	[tilespmem:s11], [sflag:$0x1] =	stream.indirect_vreg.gather [hbm4b:s5+s3], $0x80, v3, vm0, $0xb8;
	[tilespmem:$0x10200] =	vst v63  }
0x15c: {  	s14 =	rddreg [dreg:$0x7]  }
0x15d: {  	[hbm4b:s14+s3] =	stream.linear.scatter [tilespmem:s25], [sflag:$0x4], $0x8000, $0x38;
	[tilespmem:$0x10200] =	vst v63  }
0x15e: {  	_ =	swait.ge [sflag:s24], $0x8000  }
0x15f: {  	[sflag:s24] =	ssyncset.done $0x0  }
0x160: {  	[sflag:s24] =	ssyncadd.s32 $0xFFFF8000  }
0x161: {  	_ =	swait.ge [sflag:s17], $0x8000  }
0x162: {  	[sflag:s17] =	ssyncset.done $0x0  }
0x163: {  	[sflag:s17] =	ssyncadd.s32 $0xFFFF8000  }
0x164: {  	v3 =	vld [tilespmem:$0x140];
	_ =	sdelay $0x4  }
0x165: {  	v52 =	vshll.u32 v3, $0x2  }
0x166: {  	v3 =	vand.u32 $0x7, v3;
	v4 =	vand.u32 $0xFFFFFFE0, v52  }
0x167: {  	v3 =	vor.u32 v3, v4  }
0x168: {  	v4 =	vperm.xlane v3, v0;
	_ =	sdelay $0x1  }
0x169: {  	v4 =	vadd.s32 v1, v4;
	_ =	sdelay $0x1  }
0x16a: {  	v3 =	vperm.xlane v3, v2;
	_ =	sdelay $0x1  }
0x16b: {  	v3 =	vadd.s32 v1, v3  }
0x16c: {  	[tilespmem:s25], [sflag:$0x2] =	stream.indirect_vreg.gather [hbm4b:s1+s3], $0x80, v4, vm0, $0xb8;
	[tilespmem:$0x10200] =	vst v63  }
0x16d: {  	_ = 	snop  }
0x16e: {  	[tilespmem:s0], [sflag:$0x2] =	stream.indirect_vreg.gather [hbm4b:s5+s3], $0x80, v4, vm0, $0xb8;
	[tilespmem:$0x10200] =	vst v63  }
0x16f: {  	s18 =	simm.s32 $0x9200  }
0x170: {  	[tilespmem:s18], [sflag:$0x2] =	stream.indirect_vreg.gather [hbm4b:s1+s3], $0x80, v3, vm0, $0xb8;
	[tilespmem:$0x10200] =	vst v63  }
0x171: {  	s14 =	simm.s32 $0x9A00  }
0x172: {  	[tilespmem:s14], [sflag:$0x2] =	stream.indirect_vreg.gather [hbm4b:s5+s3], $0x80, v3, vm0, $0xb8;
	[tilespmem:$0x10200] =	vst v63  }
0x173: {  	v3 =	vld [tilespmem:$0x150];
	_ =	sdelay $0x4  }
0x174: {  	v53 =	vshll.u32 v3, $0x2  }
0x175: {  	v3 =	vand.u32 $0x7, v3;
	v4 =	vand.u32 $0xFFFFFFE0, v53  }
0x176: {  	v3 =	vor.u32 v3, v4  }
0x177: {  	v4 =	vperm.xlane v3, v0;
	_ =	sdelay $0x1  }
0x178: {  	v4 =	vadd.s32 v1, v4;
	_ =	sdelay $0x1  }
0x179: {  	v3 =	vperm.xlane v3, v2;
	_ =	sdelay $0x1  }
0x17a: {  	s18 =	simm.s32 $0xA200;
	v3 =	vadd.s32 v1, v3  }
0x17b: {  	[tilespmem:s18], [sflag:$0x2] =	stream.indirect_vreg.gather [hbm4b:s1+s3], $0x80, v4, vm0, $0xb8;
	[tilespmem:$0x10200] =	vst v63  }
0x17c: {  	s0 =	simm.s32 $0xAA00  }
0x17d: {  	[tilespmem:s0], [sflag:$0x2] =	stream.indirect_vreg.gather [hbm4b:s5+s3], $0x80, v4, vm0, $0xb8;
	[tilespmem:$0x10200] =	vst v63  }
0x17e: {  	_ = 	snop  }
0x17f: {  	[tilespmem:s2], [sflag:$0x2] =	stream.indirect_vreg.gather [hbm4b:s1+s3], $0x80, v3, vm0, $0xb8;
	[tilespmem:$0x10200] =	vst v63  }
0x180: {  	s18 =	simm.s32 $0xBA00  }
0x181: {  	[tilespmem:s18], [sflag:$0x2] =	stream.indirect_vreg.gather [hbm4b:s5+s3], $0x80, v3, vm0, $0xb8;
	[tilespmem:$0x10200] =	vst v63  }
0x182: {  	v3 =	vld [tilespmem:$0x160];
	_ =	sdelay $0x4  }
0x183: {  	v54 =	vshll.u32 v3, $0x2  }
0x184: {  	v3 =	vand.u32 $0x7, v3;
	v4 =	vand.u32 $0xFFFFFFE0, v54  }
0x185: {  	v3 =	vor.u32 v3, v4  }
0x186: {  	v4 =	vperm.xlane v3, v0;
	_ =	sdelay $0x1  }
0x187: {  	v4 =	vadd.s32 v1, v4;
	_ =	sdelay $0x1  }
0x188: {  	v3 =	vperm.xlane v3, v2;
	_ =	sdelay $0x1  }
0x189: {  	v3 =	vadd.s32 v1, v3  }
0x18a: {  	[tilespmem:s4], [sflag:$0x2] =	stream.indirect_vreg.gather [hbm4b:s1+s3], $0x80, v4, vm0, $0xb8;
	[tilespmem:$0x10200] =	vst v63  }
0x18b: {  	_ = 	snop  }
0x18c: {  	[tilespmem:s7], [sflag:$0x2] =	stream.indirect_vreg.gather [hbm4b:s5+s3], $0x80, v4, vm0, $0xb8;
	[tilespmem:$0x10200] =	vst v63  }
0x18d: {  	_ = 	snop  }
0x18e: {  	[tilespmem:s8], [sflag:$0x2] =	stream.indirect_vreg.gather [hbm4b:s1+s3], $0x80, v3, vm0, $0xb8;
	[tilespmem:$0x10200] =	vst v63  }
0x18f: {  	s18 =	simm.s32 $0xDA00  }
0x190: {  	[tilespmem:s18], [sflag:$0x2] =	stream.indirect_vreg.gather [hbm4b:s5+s3], $0x80, v3, vm0, $0xb8;
	[tilespmem:$0x10200] =	vst v63  }
0x191: {  	v3 =	vld [tilespmem:$0x170];
	_ =	sdelay $0x4  }
0x192: {  	v55 =	vshll.u32 v3, $0x2  }
0x193: {  	v3 =	vand.u32 $0x7, v3;
	v4 =	vand.u32 $0xFFFFFFE0, v55  }
0x194: {  	v3 =	vor.u32 v3, v4  }
0x195: {  	v4 =	vperm.xlane v3, v0;
	_ =	sdelay $0x1  }
0x196: {  	v4 =	vadd.s32 v1, v4;
	_ =	sdelay $0x1  }
0x197: {  	v3 =	vperm.xlane v3, v2;
	_ =	sdelay $0x1  }
0x198: {  	v3 =	vadd.s32 v1, v3  }
0x199: {  	[tilespmem:s9], [sflag:$0x2] =	stream.indirect_vreg.gather [hbm4b:s1+s3], $0x80, v4, vm0, $0xb8;
	[tilespmem:$0x10200] =	vst v63  }
0x19a: {  	_ = 	snop  }
0x19b: {  	[tilespmem:s10], [sflag:$0x2] =	stream.indirect_vreg.gather [hbm4b:s5+s3], $0x80, v4, vm0, $0xb8;
	[tilespmem:$0x10200] =	vst v63  }
0x19c: {  	s18 =	simm.s32 $0xF200  }
0x19d: {  	[tilespmem:s18], [sflag:$0x2] =	stream.indirect_vreg.gather [hbm4b:s1+s3], $0x80, v3, vm0, $0xb8;
	[tilespmem:$0x10200] =	vst v63  }
0x19e: {  	s0 =	simm.s32 $0xFA00  }
0x19f: {  	[tilespmem:s0], [sflag:$0x2] =	stream.indirect_vreg.gather [hbm4b:s5+s3], $0x80, v3, vm0, $0xb8;
	[tilespmem:$0x10200] =	vst v63  }
0x1a0: {  	s18 =	rddreg [dreg:$0x8]  }
0x1a1: {  	[hbm4b:s18+s3] =	stream.linear.scatter [tilespmem:s29], [sflag:$0x3], $0x8000, $0x38;
	[tilespmem:$0x10200] =	vst v63  }
0x1a2: {  	_ =	swait.ge [sflag:s15], $0x8000  }
0x1a3: {  	[sflag:s15] =	ssyncset.done $0x0  }
0x1a4: {  	[sflag:s15] =	ssyncadd.s32 $0xFFFF8000  }
0x1a5: {  	_ =	swait.ge [sflag:s16], $0x8000  }
0x1a6: {  	[sflag:s16] =	ssyncset.done $0x0  }
0x1a7: {  	[sflag:s16] =	ssyncadd.s32 $0xFFFF8000  }
0x1a8: {  	v3 =	vld [tilespmem:$0x180];
	_ =	sdelay $0x4  }
0x1a9: {  	v56 =	vshll.u32 v3, $0x2  }
0x1aa: {  	v3 =	vand.u32 $0x7, v3;
	v4 =	vand.u32 $0xFFFFFFE0, v56  }
0x1ab: {  	v3 =	vor.u32 v3, v4  }
0x1ac: {  	v4 =	vperm.xlane v3, v0;
	_ =	sdelay $0x1  }
0x1ad: {  	v4 =	vadd.s32 v1, v4;
	_ =	sdelay $0x1  }
0x1ae: {  	v3 =	vperm.xlane v3, v2;
	_ =	sdelay $0x1  }
0x1af: {  	v3 =	vadd.s32 v1, v3  }
0x1b0: {  	[tilespmem:s29], [sflag:$0x1] =	stream.indirect_vreg.gather [hbm4b:s1+s3], $0x80, v4, vm0, $0xb8;
	[tilespmem:$0x10200] =	vst v63  }
0x1b1: {  	s28 =	simm.s32 $0xA00  }
0x1b2: {  	[tilespmem:s28], [sflag:$0x1] =	stream.indirect_vreg.gather [hbm4b:s5+s3], $0x80, v4, vm0, $0xb8;
	[tilespmem:$0x10200] =	vst v63  }
0x1b3: {  	s13 =	simm.s32 $0x1200  }
0x1b4: {  	[tilespmem:s13], [sflag:$0x1] =	stream.indirect_vreg.gather [hbm4b:s1+s3], $0x80, v3, vm0, $0xb8;
	[tilespmem:$0x10200] =	vst v63  }
0x1b5: {  	s20 =	simm.s32 $0x1A00  }
0x1b6: {  	[tilespmem:s20], [sflag:$0x1] =	stream.indirect_vreg.gather [hbm4b:s5+s3], $0x80, v3, vm0, $0xb8;
	[tilespmem:$0x10200] =	vst v63  }
0x1b7: {  	v3 =	vld [tilespmem:$0x190];
	_ =	sdelay $0x4  }
0x1b8: {  	v57 =	vshll.u32 v3, $0x2  }
0x1b9: {  	v3 =	vand.u32 $0x7, v3;
	v4 =	vand.u32 $0xFFFFFFE0, v57  }
0x1ba: {  	v3 =	vor.u32 v3, v4  }
0x1bb: {  	v4 =	vperm.xlane v3, v0;
	_ =	sdelay $0x1  }
0x1bc: {  	v4 =	vadd.s32 v1, v4;
	_ =	sdelay $0x1  }
0x1bd: {  	v3 =	vperm.xlane v3, v2;
	_ =	sdelay $0x1  }
0x1be: {  	s28 =	simm.s32 $0x2200;
	v3 =	vadd.s32 v1, v3  }
0x1bf: {  	[tilespmem:s28], [sflag:$0x1] =	stream.indirect_vreg.gather [hbm4b:s1+s3], $0x80, v4, vm0, $0xb8;
	[tilespmem:$0x10200] =	vst v63  }
0x1c0: {  	s22 =	simm.s32 $0x2A00  }
0x1c1: {  	[tilespmem:s22], [sflag:$0x1] =	stream.indirect_vreg.gather [hbm4b:s5+s3], $0x80, v4, vm0, $0xb8;
	[tilespmem:$0x10200] =	vst v63  }
0x1c2: {  	s21 =	simm.s32 $0x3200  }
0x1c3: {  	[tilespmem:s21], [sflag:$0x1] =	stream.indirect_vreg.gather [hbm4b:s1+s3], $0x80, v3, vm0, $0xb8;
	[tilespmem:$0x10200] =	vst v63  }
0x1c4: {  	s23 =	simm.s32 $0x3A00  }
0x1c5: {  	[tilespmem:s23], [sflag:$0x1] =	stream.indirect_vreg.gather [hbm4b:s5+s3], $0x80, v3, vm0, $0xb8;
	[tilespmem:$0x10200] =	vst v63  }
0x1c6: {  	v3 =	vld [tilespmem:$0x1A0];
	_ =	sdelay $0x4  }
0x1c7: {  	v58 =	vshll.u32 v3, $0x2  }
0x1c8: {  	v3 =	vand.u32 $0x7, v3;
	v4 =	vand.u32 $0xFFFFFFE0, v58  }
0x1c9: {  	v3 =	vor.u32 v3, v4  }
0x1ca: {  	v4 =	vperm.xlane v3, v0;
	_ =	sdelay $0x1  }
0x1cb: {  	v4 =	vadd.s32 v1, v4;
	_ =	sdelay $0x1  }
0x1cc: {  	v3 =	vperm.xlane v3, v2;
	_ =	sdelay $0x1  }
0x1cd: {  	s26 =	simm.s32 $0x4200;
	v3 =	vadd.s32 v1, v3  }
0x1ce: {  	[tilespmem:s26], [sflag:$0x1] =	stream.indirect_vreg.gather [hbm4b:s1+s3], $0x80, v4, vm0, $0xb8;
	[tilespmem:$0x10200] =	vst v63  }
0x1cf: {  	s30 =	simm.s32 $0x4A00  }
0x1d0: {  	[tilespmem:s30], [sflag:$0x1] =	stream.indirect_vreg.gather [hbm4b:s5+s3], $0x80, v4, vm0, $0xb8;
	[tilespmem:$0x10200] =	vst v63  }
0x1d1: {  	s31 =	simm.s32 $0x5200  }
0x1d2: {  	[tilespmem:s31], [sflag:$0x1] =	stream.indirect_vreg.gather [hbm4b:s1+s3], $0x80, v3, vm0, $0xb8;
	[tilespmem:$0x10200] =	vst v63  }
0x1d3: {  	s19 =	simm.s32 $0x5A00  }
0x1d4: {  	[tilespmem:s19], [sflag:$0x1] =	stream.indirect_vreg.gather [hbm4b:s5+s3], $0x80, v3, vm0, $0xb8;
	[tilespmem:$0x10200] =	vst v63  }
0x1d5: {  	v3 =	vld [tilespmem:$0x1B0];
	_ =	sdelay $0x4  }
0x1d6: {  	v59 =	vshll.u32 v3, $0x2  }
0x1d7: {  	v3 =	vand.u32 $0x7, v3;
	v4 =	vand.u32 $0xFFFFFFE0, v59  }
0x1d8: {  	v3 =	vor.u32 v3, v4  }
0x1d9: {  	v4 =	vperm.xlane v3, v0;
	_ =	sdelay $0x1  }
0x1da: {  	v4 =	vadd.s32 v1, v4;
	_ =	sdelay $0x1  }
0x1db: {  	v3 =	vperm.xlane v3, v2;
	_ =	sdelay $0x1  }
0x1dc: {  	s30 =	simm.s32 $0x6200;
	v3 =	vadd.s32 v1, v3  }
0x1dd: {  	[tilespmem:s30], [sflag:$0x1] =	stream.indirect_vreg.gather [hbm4b:s1+s3], $0x80, v4, vm0, $0xb8;
	[tilespmem:$0x10200] =	vst v63  }
0x1de: {  	s31 =	simm.s32 $0x6A00  }
0x1df: {  	[tilespmem:s31], [sflag:$0x1] =	stream.indirect_vreg.gather [hbm4b:s5+s3], $0x80, v4, vm0, $0xb8;
	[tilespmem:$0x10200] =	vst v63  }
0x1e0: {  	s12 =	simm.s32 $0x7200  }
0x1e1: {  	[tilespmem:s12], [sflag:$0x1] =	stream.indirect_vreg.gather [hbm4b:s1+s3], $0x80, v3, vm0, $0xb8;
	[tilespmem:$0x10200] =	vst v63  }
0x1e2: {  	s11 =	simm.s32 $0x7A00  }
0x1e3: {  	[tilespmem:s11], [sflag:$0x1] =	stream.indirect_vreg.gather [hbm4b:s5+s3], $0x80, v3, vm0, $0xb8;
	[tilespmem:$0x10200] =	vst v63  }
0x1e4: {  	s13 =	rddreg [dreg:$0x9]  }
0x1e5: {  	[hbm4b:s13+s3] =	stream.linear.scatter [tilespmem:s25], [sflag:$0x4], $0x8000, $0x38;
	[tilespmem:$0x10200] =	vst v63  }
0x1e6: {  	_ =	swait.ge [sflag:s24], $0x8000  }
0x1e7: {  	[sflag:s24] =	ssyncset.done $0x0  }
0x1e8: {  	[sflag:s24] =	ssyncadd.s32 $0xFFFF8000  }
0x1e9: {  	_ =	swait.ge [sflag:s17], $0x8000  }
0x1ea: {  	[sflag:s17] =	ssyncset.done $0x0  }
0x1eb: {  	[sflag:s17] =	ssyncadd.s32 $0xFFFF8000  }
0x1ec: {  	v3 =	vld [tilespmem:$0x1C0];
	_ =	sdelay $0x4  }
0x1ed: {  	v60 =	vshll.u32 v3, $0x2  }
0x1ee: {  	v3 =	vand.u32 $0x7, v3;
	v4 =	vand.u32 $0xFFFFFFE0, v60  }
0x1ef: {  	v3 =	vor.u32 v3, v4  }
0x1f0: {  	v4 =	vperm.xlane v3, v0;
	_ =	sdelay $0x1  }
0x1f1: {  	v4 =	vadd.s32 v1, v4;
	_ =	sdelay $0x1  }
0x1f2: {  	v3 =	vperm.xlane v3, v2;
	_ =	sdelay $0x1  }
0x1f3: {  	v3 =	vadd.s32 v1, v3  }
0x1f4: {  	[tilespmem:s25], [sflag:$0x2] =	stream.indirect_vreg.gather [hbm4b:s1+s3], $0x80, v4, vm0, $0xb8;
	[tilespmem:$0x10200] =	vst v63  }
0x1f5: {  	s18 =	simm.s32 $0x8A00  }
0x1f6: {  	[tilespmem:s18], [sflag:$0x2] =	stream.indirect_vreg.gather [hbm4b:s5+s3], $0x80, v4, vm0, $0xb8;
	[tilespmem:$0x10200] =	vst v63  }
0x1f7: {  	s19 =	simm.s32 $0x9200  }
0x1f8: {  	[tilespmem:s19], [sflag:$0x2] =	stream.indirect_vreg.gather [hbm4b:s1+s3], $0x80, v3, vm0, $0xb8;
	[tilespmem:$0x10200] =	vst v63  }
0x1f9: {  	s20 =	simm.s32 $0x9A00  }
0x1fa: {  	[tilespmem:s20], [sflag:$0x2] =	stream.indirect_vreg.gather [hbm4b:s5+s3], $0x80, v3, vm0, $0xb8;
	[tilespmem:$0x10200] =	vst v63  }
0x1fb: {  	v3 =	vld [tilespmem:$0x1D0];
	_ =	sdelay $0x4  }
0x1fc: {  	v61 =	vshll.u32 v3, $0x2  }
0x1fd: {  	v3 =	vand.u32 $0x7, v3;
	v4 =	vand.u32 $0xFFFFFFE0, v61  }
0x1fe: {  	v3 =	vor.u32 v3, v4  }
0x1ff: {  	v4 =	vperm.xlane v3, v0;
	_ =	sdelay $0x1  }
0x200: {  	v4 =	vadd.s32 v1, v4;
	_ =	sdelay $0x1  }
0x201: {  	v3 =	vperm.xlane v3, v2;
	_ =	sdelay $0x1  }
0x202: {  	s21 =	simm.s32 $0xA200;
	v3 =	vadd.s32 v1, v3  }
0x203: {  	[tilespmem:s21], [sflag:$0x2] =	stream.indirect_vreg.gather [hbm4b:s1+s3], $0x80, v4, vm0, $0xb8;
	[tilespmem:$0x10200] =	vst v63  }
0x204: {  	s14 =	simm.s32 $0xAA00  }
0x205: {  	[tilespmem:s14], [sflag:$0x2] =	stream.indirect_vreg.gather [hbm4b:s5+s3], $0x80, v4, vm0, $0xb8;
	[tilespmem:$0x10200] =	vst v63  }
0x206: {  	s2 =	simm.s32 $0xB200  }
0x207: {  	[tilespmem:s2], [sflag:$0x2] =	stream.indirect_vreg.gather [hbm4b:s1+s3], $0x80, v3, vm0, $0xb8;
	[tilespmem:$0x10200] =	vst v63  }
0x208: {  	s22 =	simm.s32 $0xBA00  }
0x209: {  	[tilespmem:s22], [sflag:$0x2] =	stream.indirect_vreg.gather [hbm4b:s5+s3], $0x80, v3, vm0, $0xb8;
	[tilespmem:$0x10200] =	vst v63  }
0x20a: {  	v3 =	vld [tilespmem:$0x1E0];
	_ =	sdelay $0x4  }
0x20b: {  	v62 =	vshll.u32 v3, $0x2  }
0x20c: {  	v3 =	vand.u32 $0x7, v3;
	v4 =	vand.u32 $0xFFFFFFE0, v62  }
0x20d: {  	v3 =	vor.u32 v3, v4  }
0x20e: {  	v4 =	vperm.xlane v3, v0;
	_ =	sdelay $0x1  }
0x20f: {  	v4 =	vadd.s32 v1, v4;
	_ =	sdelay $0x1  }
0x210: {  	v3 =	vperm.xlane v3, v2;
	_ =	sdelay $0x1  }
0x211: {  	s4 =	simm.s32 $0xC200;
	v3 =	vadd.s32 v1, v3  }
0x212: {  	[tilespmem:s4], [sflag:$0x2] =	stream.indirect_vreg.gather [hbm4b:s1+s3], $0x80, v4, vm0, $0xb8;
	[tilespmem:$0x10200] =	vst v63  }
0x213: {  	s7 =	simm.s32 $0xCA00  }
0x214: {  	[tilespmem:s7], [sflag:$0x2] =	stream.indirect_vreg.gather [hbm4b:s5+s3], $0x80, v4, vm0, $0xb8;
	[tilespmem:$0x10200] =	vst v63  }
0x215: {  	s8 =	simm.s32 $0xD200  }
0x216: {  	[tilespmem:s8], [sflag:$0x2] =	stream.indirect_vreg.gather [hbm4b:s1+s3], $0x80, v3, vm0, $0xb8;
	[tilespmem:$0x10200] =	vst v63  }
0x217: {  	s23 =	simm.s32 $0xDA00  }
0x218: {  	[tilespmem:s23], [sflag:$0x2] =	stream.indirect_vreg.gather [hbm4b:s5+s3], $0x80, v3, vm0, $0xb8;
	[tilespmem:$0x10200] =	vst v63  }
0x219: {  	v3 =	vld [tilespmem:$0x1F0];
	_ =	sdelay $0x4  }
0x21a: {  	v63 =	vshll.u32 v3, $0x2  }
0x21b: {  	v3 =	vand.u32 $0x7, v3;
	v4 =	vand.u32 $0xFFFFFFE0, v63  }
0x21c: {  	v3 =	vor.u32 v3, v4  }
0x21d: {  	v4 =	vperm.xlane v3, v0;
	_ =	sdelay $0x1  }
0x21e: {  	v4 =	vadd.s32 v1, v4;
	_ =	sdelay $0x1  }
0x21f: {  	v3 =	vperm.xlane v3, v2;
	_ =	sdelay $0x1  }
0x220: {  	s9 =	simm.s32 $0xE200;
	v3 =	vadd.s32 v1, v3  }
0x221: {  	[tilespmem:s9], [sflag:$0x2] =	stream.indirect_vreg.gather [hbm4b:s1+s3], $0x80, v4, vm0, $0xb8;
	[tilespmem:$0x10200] =	vst v63  }
0x222: {  	s10 =	simm.s32 $0xEA00  }
0x223: {  	[tilespmem:s10], [sflag:$0x2] =	stream.indirect_vreg.gather [hbm4b:s5+s3], $0x80, v4, vm0, $0xb8;
	[tilespmem:$0x10200] =	vst v63  }
0x224: {  	s26 =	simm.s32 $0xF200  }
0x225: {  	[tilespmem:s26], [sflag:$0x2] =	stream.indirect_vreg.gather [hbm4b:s1+s3], $0x80, v3, vm0, $0xb8;
	[tilespmem:$0x10200] =	vst v63  }
0x226: {  	s30 =	simm.s32 $0xFA00  }
0x227: {  	[tilespmem:s30], [sflag:$0x2] =	stream.indirect_vreg.gather [hbm4b:s5+s3], $0x80, v3, vm0, $0xb8;
	[tilespmem:$0x10200] =	vst v63  }
0x228: {  	s28 =	rddreg [dreg:$0xa]  }
0x229: {  	[hbm4b:s28+s3] =	stream.linear.scatter [tilespmem:s29], [sflag:$0x3], $0x8000, $0x38;
	[tilespmem:$0x10200] =	vst v63  }
0x22a: {  	_ =	swait.ge [sflag:s15], $0x8000  }
0x22b: {  	[sflag:s15] =	ssyncset.done $0x0  }
0x22c: {  	s31 =	rddreg [dreg:$0xb];
	[sflag:s15] =	ssyncadd.s32 $0xFFFF8000  }
0x22d: {  	[hbm4b:s31+s3] =	stream.linear.scatter [tilespmem:s25], [sflag:$0x4], $0x8000, $0x38;
	[tilespmem:$0x10200] =	vst v63  }
0x22e: {  	p0 =	sne.s32 s6, $0x1;
	_ =	swait.ge [sflag:s16], $0x8000  }
.Ltmp0:
0x22f: {  	[sflag:s16] =	ssyncset.done $0x0;
	(pc) =	sbr.rel @p0 .LBB2_1-.Ltmp0, $4  }
0x230: {  	[sflag:s16] =	ssyncadd.s32 $0xFFFF8000  }
0x231: {  	_ =	swait.ge [sflag:s17], $0x8000  }
0x232: {  	[sflag:s17] =	ssyncset.done $0x0  }
0x233: {  	s6 =	sadd.s32 $0xFFFFFFFF, s6;
	[sflag:s17] =	ssyncadd.s32 $0xFFFF8000  }
0x234: {  	_ =	sfence.sel $0x180000  }
0x235: {  	[bflag:$0x0] =	sbarrier.arrive $0xFFFF  }
0x236: {  	_ =	strace $0x90000047  }
0x237: {  	s0 =	stileid.u32;
	[bflag:$0x2] =	sbarrier.arrive $0xFFFF  }
0x238: {  	p0 =	sne.s32 s0, $0x0;
	s0 =	rddreg [dreg:$0x3]  }
0x239: {  	s0 =	sadd.s32 @!p0 $0x100000, s0  }
0x23a: {  	[sflag:s0] =	ssyncadd.tile.s32 @!p0 $0x1;
	_ =	shalt  }
.Lfunc_end2:
_tile_overlayer_lowered:
.L_overlay_start_2:
0x23b: {  	(tag) =	ssettag $0x2  }
0x23c: {  	s0 =	rddreg [dreg:$0x0];
	s2 =	stileid.u32  }
0x23d: {  	s1 =	rddreg [dreg:$0x1];
	p0 =	sne.s32 s2, $0x0  }
0x23e: {  	s3 =	rddreg [dreg:$0x2];
	[bflag:$0x3] =	sbarrier.arrive $0xFFFF;
	s2 =	simm.s32 @!p0 $0x1C05  }
0x23f: {  	[timem:s3], [sflag:s2] =	dma.local @!p0 [hbm:s0], s1  }
0x240: {  	s0 =	simm.s32 @!p0 $0x5  }
0x241: {  	_ =	swait.ge @!p0 [sflag:s0], s1  }
0x242: {  	s1 =	ssub.s32 @!p0 $0x0, s1;
	[sflag:s0] =	ssyncset.done @!p0 $0x0  }
0x243: {  	[sflag:s0] =	ssyncadd.s32 @!p0 s1  }
0x244: {  	[bflag:$0x3] =	sbarrier.arrive $0xFFFF  }
0x245: {  	_ =	shalt  }

</sc_bundles>
